<compile_context>
chip_gen: v7x
topology: tpu7x:2x2x1
jax: 0.10.2.dev20260603
libtpu: 0.0.44.dev20260713+nightly
codegen_flags: <defaults>
</compile_context>

<pallas_src>
import functools

import jax
import jax.numpy as jnp
from jax import lax
from jax.experimental import pallas as pl
from jax.experimental.pallas import tpu as pltpu
from jax.experimental.pallas import tpu_sc as plsc

N_NODES = 10000
D = 128
E = 320000
NC = 2
NS = 16
NW = NC * NS
EPW = E // NW
CHUNK = 128
NFULL = EPW // CHUNK
TAIL = EPW - NFULL * CHUNK
NPAD = 10112
ROWS_PER_TILE = NPAD // NS
R = 3


def _sc_partial_sums(node, eidx):
    mesh = plsc.VectorSubcoreMesh(core_axis_name="c", subcore_axis_name="s")

    @functools.partial(
        pl.kernel,
        out_type=jax.ShapeDtypeStruct((NC, NS, ROWS_PER_TILE, D), jnp.float32),
        mesh=mesh,
        scratch_types=(
            [pltpu.VMEM((CHUNK, D), jnp.float32) for _ in range(R)]
            + [pltpu.VMEM((2, CHUNK), jnp.int32) for _ in range(R)]
            + [pltpu.VMEM((2, TAIL), jnp.int32)]
            + [pltpu.VMEM_SHARED((NPAD, D), jnp.float32)]
            + [pltpu.SemaphoreType.DMA for _ in range(2 * R)]
        ),
    )
    def body(node_hbm, eidx_hbm, out_hbm,
             rows0, rows1, rows2, ix0, ix1, ix2, ixt, acc,
             g0, g1, g2, s0, s1, s2):
        rows = (rows0, rows1, rows2)
        ix = (ix0, ix1, ix2)
        gsem = (g0, g1, g2)
        ssem = (s0, s1, s2)

        c = lax.axis_index("c")
        s = lax.axis_index("s")
        w = c * NS + s

        @pl.loop(0, CHUNK)
        def _(r):
            for j in range(D // 16):
                rows0[r, pl.ds(j * 16, 16)] = jnp.zeros((16,), jnp.float32)

        for k in range(ROWS_PER_TILE // CHUNK):
            pltpu.sync_copy(
                rows0, acc.at[pl.ds(s * ROWS_PER_TILE + k * CHUNK, CHUNK)])
        zrem = ROWS_PER_TILE % CHUNK
        pltpu.sync_copy(
            rows0.at[pl.ds(0, zrem)],
            acc.at[pl.ds(s * ROWS_PER_TILE + ROWS_PER_TILE - zrem, zrem)])
        plsc.subcore_barrier()

        def stage_and_gather(i, b):
            pltpu.sync_copy(eidx_hbm.at[w, :, pl.ds(i * CHUNK, CHUNK)], ix[b])
            pltpu.async_copy(node_hbm.at[ix[b].at[0]], rows[b], gsem[b])

        def wait_gather(b):
            pltpu.make_async_copy(node_hbm.at[ix[b].at[0]], rows[b],
                                  gsem[b]).wait()

        def start_scatter(b):
            pltpu.async_copy(rows[b], acc.at[ix[b].at[1]], ssem[b], add=True)

        def wait_scatter(b):
            pltpu.make_async_copy(rows[b], acc.at[ix[b].at[1]], ssem[b]).wait()

        stage_and_gather(0, 0)
        stage_and_gather(1, 1)

        @pl.loop(0, (NFULL - 3) // R)
        def _(t):
            for u in range(R):
                i = R * t + u
                b = u
                b2 = (u + 2) % R
                wait_gather(b)
                start_scatter(b)
                if u == 0:
                    @pl.when(t > 0)
                    def _():
                        wait_scatter(b2)
                else:
                    wait_scatter(b2)
                stage_and_gather(i + 2, b2)

        wait_gather(0)
        start_scatter(0)
        wait_scatter(2)
        stage_and_gather(NFULL - 1, 2)
        wait_gather(1)
        start_scatter(1)
        wait_gather(2)
        start_scatter(2)

        pltpu.sync_copy(eidx_hbm.at[w, :, pl.ds(NFULL * CHUNK, TAIL)], ixt)
        wait_scatter(0)
        trows = rows0.at[pl.ds(0, TAIL)]
        pltpu.async_copy(node_hbm.at[ixt.at[0]], trows, g0)
        pltpu.make_async_copy(node_hbm.at[ixt.at[0]], trows, g0).wait()
        pltpu.async_copy(trows, acc.at[ixt.at[1]], s0, add=True)
        pltpu.make_async_copy(trows, acc.at[ixt.at[1]], s0).wait()
        wait_scatter(1)
        wait_scatter(2)

        plsc.subcore_barrier()
        pltpu.sync_copy(
            acc.at[pl.ds(s * ROWS_PER_TILE, ROWS_PER_TILE)],
            out_hbm.at[c, s])

    return body(node, eidx)


def _combine(partials):
    def body(p_ref, o_ref):
        o_ref[...] = p_ref[0, :N_NODES] + p_ref[1, :N_NODES]

    return pl.pallas_call(
        body,
        out_shape=jax.ShapeDtypeStruct((N_NODES, D), jnp.float32),
    )(partials)


@jax.jit
def kernel(node, edge_index):
    eidx = edge_index.astype(jnp.int32).reshape(2, NW, EPW).transpose(1, 0, 2)
    partials = _sc_partial_sums(node, eidx).reshape(NC, NPAD, D)
    return _combine(partials)

# --- scband reference (transcript-rebuilt; emitter-appended) ---
"""Pipeline reference for scband-s2r-layer-50027779064031 (READ-ONLY COPY).

The authoritative reference and input builder live on the scoring server;
editing this copy changes nothing except your own understanding.
"""

import jax, jax.numpy as jnp
import numpy as np

N_SRC = 10000
N_DST = 10000
D_FEAT = 128
N_EDGES = 320000

def setup_inputs(seed: int = 0) -> dict:
    key = jax.random.key(seed)
    k1, k2 = jax.random.split(key)
    node = jax.random.normal(k1, (N_SRC, D_FEAT), dtype=jnp.float32)
    edge_index = jax.random.randint(k2, (2, N_EDGES), 0, N_SRC, dtype=jnp.int64)
    return {"node": node, "edge_index": edge_index}

def reference(node, edge_index):
    # DGL: copy_u('h','mail') then sum('mail','h') over d2r edges
    # == gather source node features along edges, scatter-add to dst nodes
    src = edge_index[0]
    dst = edge_index[1]
    msgs = jnp.take(node, src, axis=0)            # copy_u: [E, d]
    score = jax.ops.segment_sum(msgs, dst, num_segments=N_DST)  # sum reduce at r_nd
    return score

if __name__ == "__main__":
    import jax
    _d = setup_inputs()
    print(jax.jit(kernel)(*tuple(_d.values())))

</pallas_src>

<mosaic_0001>
#map = affine_map<(d0, d1) -> (0, 0)>
#map1 = affine_map<(d0, d1) -> (0, 0, 0)>
#map2 = affine_map<(d0, d1) -> (0, 0, 0, 0)>
module attributes {stable_mosaic.version = 14 : i64} {
  func.func @body(%arg0: i32, %arg1: i32, %arg2: memref<10000x128xf32, #tpu.memory_space<hbm>>, %arg3: memref<32x2x10000xi32, #tpu.memory_space<hbm>>, %arg4: memref<2x16x632x128xf32, #tpu.memory_space<hbm>>, %arg5: memref<128x128xf32, #tpu.memory_space<vmem>>, %arg6: memref<128x128xf32, #tpu.memory_space<vmem>>, %arg7: memref<128x128xf32, #tpu.memory_space<vmem>>, %arg8: memref<2x128xi32, #tpu.memory_space<vmem>>, %arg9: memref<2x128xi32, #tpu.memory_space<vmem>>, %arg10: memref<2x128xi32, #tpu.memory_space<vmem>>, %arg11: memref<2x16xi32, #tpu.memory_space<vmem>>, %arg12: memref<10112x128xf32, #tpu.memory_space<vmem_shared>>, %arg13: memref<!tpu.dma_semaphore, #tpu.memory_space<semaphore_mem>>, %arg14: memref<!tpu.dma_semaphore, #tpu.memory_space<semaphore_mem>>, %arg15: memref<!tpu.dma_semaphore, #tpu.memory_space<semaphore_mem>>, %arg16: memref<!tpu.dma_semaphore, #tpu.memory_space<semaphore_mem>>, %arg17: memref<!tpu.dma_semaphore, #tpu.memory_space<semaphore_mem>>, %arg18: memref<!tpu.dma_semaphore, #tpu.memory_space<semaphore_mem>>) attributes {dimension_semantics = [#tpu.dimension_semantics<core_parallel>, #tpu.dimension_semantics<subcore_parallel>], iteration_bounds = array<i64: 2, 16>, scalar_prefetch = 0 : i64, scratch_operands = 14 : i64, tpu.core_type = #tpu.core_type<sc_vector_subcore>, window_params = [{transform_indices = #map}, {transform_indices = #map1}, {transform_indices = #map2}]} {
    %mul3A = arith.constant 16 : i32
    %mul3A_0 = arith.muli %arg0, %mul3A : i32
    %add3A = arith.addi %mul3A_0, %arg1 : i32
    %scan3A = arith.constant 0 : i32
    %scan3A_1 = arith.constant 128 : i32
    %scan3A_2 = arith.addi %scan3A, %scan3A_1 : i32
    %scan3A_3 = arith.constant 1 : i32
    scf.for %scan3A_163 = %scan3A to %scan3A_2 step %scan3A_3  : i32 {
      %mul3A_164 = arith.constant 1 : i32
      %mul3A_165 = arith.muli %scan3A_163, %mul3A_164 : i32
      %add3A_166 = arith.constant 0 : i32
      %add3A_167 = arith.addi %add3A_166, %mul3A_165 : i32
      %broadcast_in_dim3A = arith.constant 0.000000e+00 : f32
      %broadcast_in_dim3A_168 = vector.broadcast %broadcast_in_dim3A : f32 to vector<16xf32>
      %swap3A = arith.index_cast %add3A_167 : i32 to index
      %swap3A_169 = arith.constant 0 : index
      %swap3A_170 = tpu.vector_load %arg5[%swap3A, %swap3A_169] {strides = array<i32>} : memref<128x128xf32, #tpu.memory_space<vmem>>, vector<1x16xf32>,
      %swap3A_171 = vector.shape_cast %swap3A_170 : vector<1x16xf32> to vector<16xf32>
      %swap3A_172 = vector.shape_cast %broadcast_in_dim3A_168 : vector<16xf32> to vector<1x16xf32>
      tpu.vector_store %arg5[%swap3A, %swap3A_169], %swap3A_172 {strides = array<i32>} : memref<128x128xf32, #tpu.memory_space<vmem>>, vector<1x16xf32>,
      %broadcast_in_dim3A_173 = arith.constant 0.000000e+00 : f32
      %broadcast_in_dim3A_174 = vector.broadcast %broadcast_in_dim3A_173 : f32 to vector<16xf32>
      %swap3A_175 = arith.index_cast %add3A_167 : i32 to index
      %swap3A_176 = arith.constant 16 : index
      %swap3A_177 = tpu.vector_load %arg5[%swap3A_175, %swap3A_176] {strides = array<i32>} : memref<128x128xf32, #tpu.memory_space<vmem>>, vector<1x16xf32>,
      %swap3A_178 = vector.shape_cast %swap3A_177 : vector<1x16xf32> to vector<16xf32>
      %swap3A_179 = vector.shape_cast %broadcast_in_dim3A_174 : vector<16xf32> to vector<1x16xf32>
      tpu.vector_store %arg5[%swap3A_175, %swap3A_176], %swap3A_179 {strides = array<i32>} : memref<128x128xf32, #tpu.memory_space<vmem>>, vector<1x16xf32>,
      %broadcast_in_dim3A_180 = arith.constant 0.000000e+00 : f32
      %broadcast_in_dim3A_181 = vector.broadcast %broadcast_in_dim3A_180 : f32 to vector<16xf32>
      %swap3A_182 = arith.index_cast %add3A_167 : i32 to index
      %swap3A_183 = arith.constant 32 : index
      %swap3A_184 = tpu.vector_load %arg5[%swap3A_182, %swap3A_183] {strides = array<i32>} : memref<128x128xf32, #tpu.memory_space<vmem>>, vector<1x16xf32>,
      %swap3A_185 = vector.shape_cast %swap3A_184 : vector<1x16xf32> to vector<16xf32>
      %swap3A_186 = vector.shape_cast %broadcast_in_dim3A_181 : vector<16xf32> to vector<1x16xf32>
      tpu.vector_store %arg5[%swap3A_182, %swap3A_183], %swap3A_186 {strides = array<i32>} : memref<128x128xf32, #tpu.memory_space<vmem>>, vector<1x16xf32>,
      %broadcast_in_dim3A_187 = arith.constant 0.000000e+00 : f32
      %broadcast_in_dim3A_188 = vector.broadcast %broadcast_in_dim3A_187 : f32 to vector<16xf32>
      %swap3A_189 = arith.index_cast %add3A_167 : i32 to index
      %swap3A_190 = arith.constant 48 : index
      %swap3A_191 = tpu.vector_load %arg5[%swap3A_189, %swap3A_190] {strides = array<i32>} : memref<128x128xf32, #tpu.memory_space<vmem>>, vector<1x16xf32>,
      %swap3A_192 = vector.shape_cast %swap3A_191 : vector<1x16xf32> to vector<16xf32>
      %swap3A_193 = vector.shape_cast %broadcast_in_dim3A_188 : vector<16xf32> to vector<1x16xf32>
      tpu.vector_store %arg5[%swap3A_189, %swap3A_190], %swap3A_193 {strides = array<i32>} : memref<128x128xf32, #tpu.memory_space<vmem>>, vector<1x16xf32>,
      %broadcast_in_dim3A_194 = arith.constant 0.000000e+00 : f32
      %broadcast_in_dim3A_195 = vector.broadcast %broadcast_in_dim3A_194 : f32 to vector<16xf32>
      %swap3A_196 = arith.index_cast %add3A_167 : i32 to index
      %swap3A_197 = arith.constant 64 : index
      %swap3A_198 = tpu.vector_load %arg5[%swap3A_196, %swap3A_197] {strides = array<i32>} : memref<128x128xf32, #tpu.memory_space<vmem>>, vector<1x16xf32>,
      %swap3A_199 = vector.shape_cast %swap3A_198 : vector<1x16xf32> to vector<16xf32>
      %swap3A_200 = vector.shape_cast %broadcast_in_dim3A_195 : vector<16xf32> to vector<1x16xf32>
      tpu.vector_store %arg5[%swap3A_196, %swap3A_197], %swap3A_200 {strides = array<i32>} : memref<128x128xf32, #tpu.memory_space<vmem>>, vector<1x16xf32>,
      %broadcast_in_dim3A_201 = arith.constant 0.000000e+00 : f32
      %broadcast_in_dim3A_202 = vector.broadcast %broadcast_in_dim3A_201 : f32 to vector<16xf32>
      %swap3A_203 = arith.index_cast %add3A_167 : i32 to index
      %swap3A_204 = arith.constant 80 : index
      %swap3A_205 = tpu.vector_load %arg5[%swap3A_203, %swap3A_204] {strides = array<i32>} : memref<128x128xf32, #tpu.memory_space<vmem>>, vector<1x16xf32>,
      %swap3A_206 = vector.shape_cast %swap3A_205 : vector<1x16xf32> to vector<16xf32>
      %swap3A_207 = vector.shape_cast %broadcast_in_dim3A_202 : vector<16xf32> to vector<1x16xf32>
      tpu.vector_store %arg5[%swap3A_203, %swap3A_204], %swap3A_207 {strides = array<i32>} : memref<128x128xf32, #tpu.memory_space<vmem>>, vector<1x16xf32>,
      %broadcast_in_dim3A_208 = arith.constant 0.000000e+00 : f32
      %broadcast_in_dim3A_209 = vector.broadcast %broadcast_in_dim3A_208 : f32 to vector<16xf32>
      %swap3A_210 = arith.index_cast %add3A_167 : i32 to index
      %swap3A_211 = arith.constant 96 : index
      %swap3A_212 = tpu.vector_load %arg5[%swap3A_210, %swap3A_211] {strides = array<i32>} : memref<128x128xf32, #tpu.memory_space<vmem>>, vector<1x16xf32>,
      %swap3A_213 = vector.shape_cast %swap3A_212 : vector<1x16xf32> to vector<16xf32>
      %swap3A_214 = vector.shape_cast %broadcast_in_dim3A_209 : vector<16xf32> to vector<1x16xf32>
      tpu.vector_store %arg5[%swap3A_210, %swap3A_211], %swap3A_214 {strides = array<i32>} : memref<128x128xf32, #tpu.memory_space<vmem>>, vector<1x16xf32>,
      %broadcast_in_dim3A_215 = arith.constant 0.000000e+00 : f32
      %broadcast_in_dim3A_216 = vector.broadcast %broadcast_in_dim3A_215 : f32 to vector<16xf32>
      %swap3A_217 = arith.index_cast %add3A_167 : i32 to index
      %swap3A_218 = arith.constant 112 : index
      %swap3A_219 = tpu.vector_load %arg5[%swap3A_217, %swap3A_218] {strides = array<i32>} : memref<128x128xf32, #tpu.memory_space<vmem>>, vector<1x16xf32>,
      %swap3A_220 = vector.shape_cast %swap3A_219 : vector<1x16xf32> to vector<16xf32>
      %swap3A_221 = vector.shape_cast %broadcast_in_dim3A_216 : vector<16xf32> to vector<1x16xf32>
      tpu.vector_store %arg5[%swap3A_217, %swap3A_218], %swap3A_221 {strides = array<i32>} : memref<128x128xf32, #tpu.memory_space<vmem>>, vector<1x16xf32>,
    }
    %scan3A_4 = arith.constant 128 : i32
    %mul3A_5 = arith.constant 632 : i32
    %mul3A_6 = arith.muli %arg1, %mul3A_5 : i32
    %add3A_7 = arith.constant 0 : i32
    %add3A_8 = arith.addi %mul3A_6, %add3A_7 : i32
    "tpu.region"() ({
      %run_scoped3A = tpu.sem_alloc : memref<!tpu.dma_semaphore, #tpu.memory_space<semaphore_mem>>
      %dma_start3A_163 = arith.constant 0 : i32
      %dma_start3A_164 = tpu.memref_slice %arg12[%add3A_8, %dma_start3A_163] : memref<10112x128xf32, #tpu.memory_space<vmem_shared>> -> memref<128x128xf32, #tpu.memory_space<vmem_shared>>
      %dma_start3A_165 = arith.constant 0 : i32
      %dma_start3A_166 = tpu.memref_slice %arg12[%add3A_8, %dma_start3A_165] : memref<10112x128xf32, #tpu.memory_space<vmem_shared>> -> memref<128x128xf32, #tpu.memory_space<vmem_shared>>
      tpu.enqueue_dma source(%arg5 : memref<128x128xf32, #tpu.memory_space<vmem>>) target(%dma_start3A_166 : memref<128x128xf32, #tpu.memory_space<vmem_shared>>) target_semaphore(%run_scoped3A : memref<!tpu.dma_semaphore, #tpu.memory_space<semaphore_mem>>)
      %dma_wait3A_167 = arith.constant 0 : i32
      %dma_wait3A_168 = tpu.memref_slice %arg12[%add3A_8, %dma_wait3A_167] : memref<10112x128xf32, #tpu.memory_space<vmem_shared>> -> memref<128x128xf32, #tpu.memory_space<vmem_shared>>
      %dma_wait3A_169 = arith.constant 0 : i32
      %dma_wait3A_170 = tpu.memref_slice %arg12[%add3A_8, %dma_wait3A_169] : memref<10112x128xf32, #tpu.memory_space<vmem_shared>> -> memref<128x128xf32, #tpu.memory_space<vmem_shared>>
      tpu.wait_dma2 semaphore(%run_scoped3A : memref<!tpu.dma_semaphore, #tpu.memory_space<semaphore_mem>>) src(%arg5 : memref<128x128xf32, #tpu.memory_space<vmem>>) dst(%dma_wait3A_170 : memref<128x128xf32, #tpu.memory_space<vmem_shared>>)
      tpu.yield
    }) : () -> ()
    %mul3A_9 = arith.constant 632 : i32
    %mul3A_10 = arith.muli %arg1, %mul3A_9 : i32
    %add3A_11 = arith.constant 128 : i32
    %add3A_12 = arith.addi %mul3A_10, %add3A_11 : i32
    "tpu.region"() ({
      %run_scoped3A = tpu.sem_alloc : memref<!tpu.dma_semaphore, #tpu.memory_space<semaphore_mem>>
      %dma_start3A_163 = arith.constant 0 : i32
      %dma_start3A_164 = tpu.memref_slice %arg12[%add3A_12, %dma_start3A_163] : memref<10112x128xf32, #tpu.memory_space<vmem_shared>> -> memref<128x128xf32, #tpu.memory_space<vmem_shared>>
      %dma_start3A_165 = arith.constant 0 : i32
      %dma_start3A_166 = tpu.memref_slice %arg12[%add3A_12, %dma_start3A_165] : memref<10112x128xf32, #tpu.memory_space<vmem_shared>> -> memref<128x128xf32, #tpu.memory_space<vmem_shared>>
      tpu.enqueue_dma source(%arg5 : memref<128x128xf32, #tpu.memory_space<vmem>>) target(%dma_start3A_166 : memref<128x128xf32, #tpu.memory_space<vmem_shared>>) target_semaphore(%run_scoped3A : memref<!tpu.dma_semaphore, #tpu.memory_space<semaphore_mem>>)
      %dma_wait3A_167 = arith.constant 0 : i32
      %dma_wait3A_168 = tpu.memref_slice %arg12[%add3A_12, %dma_wait3A_167] : memref<10112x128xf32, #tpu.memory_space<vmem_shared>> -> memref<128x128xf32, #tpu.memory_space<vmem_shared>>
      %dma_wait3A_169 = arith.constant 0 : i32
      %dma_wait3A_170 = tpu.memref_slice %arg12[%add3A_12, %dma_wait3A_169] : memref<10112x128xf32, #tpu.memory_space<vmem_shared>> -> memref<128x128xf32, #tpu.memory_space<vmem_shared>>
      tpu.wait_dma2 semaphore(%run_scoped3A : memref<!tpu.dma_semaphore, #tpu.memory_space<semaphore_mem>>) src(%arg5 : memref<128x128xf32, #tpu.memory_space<vmem>>) dst(%dma_wait3A_170 : memref<128x128xf32, #tpu.memory_space<vmem_shared>>)
      tpu.yield
    }) : () -> ()
    %mul3A_13 = arith.constant 632 : i32
    %mul3A_14 = arith.muli %arg1, %mul3A_13 : i32
    %add3A_15 = arith.constant 256 : i32
    %add3A_16 = arith.addi %mul3A_14, %add3A_15 : i32
    "tpu.region"() ({
      %run_scoped3A = tpu.sem_alloc : memref<!tpu.dma_semaphore, #tpu.memory_space<semaphore_mem>>
      %dma_start3A_163 = arith.constant 0 : i32
      %dma_start3A_164 = tpu.memref_slice %arg12[%add3A_16, %dma_start3A_163] : memref<10112x128xf32, #tpu.memory_space<vmem_shared>> -> memref<128x128xf32, #tpu.memory_space<vmem_shared>>
      %dma_start3A_165 = arith.constant 0 : i32
      %dma_start3A_166 = tpu.memref_slice %arg12[%add3A_16, %dma_start3A_165] : memref<10112x128xf32, #tpu.memory_space<vmem_shared>> -> memref<128x128xf32, #tpu.memory_space<vmem_shared>>
      tpu.enqueue_dma source(%arg5 : memref<128x128xf32, #tpu.memory_space<vmem>>) target(%dma_start3A_166 : memref<128x128xf32, #tpu.memory_space<vmem_shared>>) target_semaphore(%run_scoped3A : memref<!tpu.dma_semaphore, #tpu.memory_space<semaphore_mem>>)
      %dma_wait3A_167 = arith.constant 0 : i32
      %dma_wait3A_168 = tpu.memref_slice %arg12[%add3A_16, %dma_wait3A_167] : memref<10112x128xf32, #tpu.memory_space<vmem_shared>> -> memref<128x128xf32, #tpu.memory_space<vmem_shared>>
      %dma_wait3A_169 = arith.constant 0 : i32
      %dma_wait3A_170 = tpu.memref_slice %arg12[%add3A_16, %dma_wait3A_169] : memref<10112x128xf32, #tpu.memory_space<vmem_shared>> -> memref<128x128xf32, #tpu.memory_space<vmem_shared>>
      tpu.wait_dma2 semaphore(%run_scoped3A : memref<!tpu.dma_semaphore, #tpu.memory_space<semaphore_mem>>) src(%arg5 : memref<128x128xf32, #tpu.memory_space<vmem>>) dst(%dma_wait3A_170 : memref<128x128xf32, #tpu.memory_space<vmem_shared>>)
      tpu.yield
    }) : () -> ()
    %mul3A_17 = arith.constant 632 : i32
    %mul3A_18 = arith.muli %arg1, %mul3A_17 : i32
    %add3A_19 = arith.constant 384 : i32
    %add3A_20 = arith.addi %mul3A_18, %add3A_19 : i32
    "tpu.region"() ({
      %run_scoped3A = tpu.sem_alloc : memref<!tpu.dma_semaphore, #tpu.memory_space<semaphore_mem>>
      %dma_start3A_163 = arith.constant 0 : i32
      %dma_start3A_164 = tpu.memref_slice %arg12[%add3A_20, %dma_start3A_163] : memref<10112x128xf32, #tpu.memory_space<vmem_shared>> -> memref<128x128xf32, #tpu.memory_space<vmem_shared>>
      %dma_start3A_165 = arith.constant 0 : i32
      %dma_start3A_166 = tpu.memref_slice %arg12[%add3A_20, %dma_start3A_165] : memref<10112x128xf32, #tpu.memory_space<vmem_shared>> -> memref<128x128xf32, #tpu.memory_space<vmem_shared>>
      tpu.enqueue_dma source(%arg5 : memref<128x128xf32, #tpu.memory_space<vmem>>) target(%dma_start3A_166 : memref<128x128xf32, #tpu.memory_space<vmem_shared>>) target_semaphore(%run_scoped3A : memref<!tpu.dma_semaphore, #tpu.memory_space<semaphore_mem>>)
      %dma_wait3A_167 = arith.constant 0 : i32
      %dma_wait3A_168 = tpu.memref_slice %arg12[%add3A_20, %dma_wait3A_167] : memref<10112x128xf32, #tpu.memory_space<vmem_shared>> -> memref<128x128xf32, #tpu.memory_space<vmem_shared>>
      %dma_wait3A_169 = arith.constant 0 : i32
      %dma_wait3A_170 = tpu.memref_slice %arg12[%add3A_20, %dma_wait3A_169] : memref<10112x128xf32, #tpu.memory_space<vmem_shared>> -> memref<128x128xf32, #tpu.memory_space<vmem_shared>>
      tpu.wait_dma2 semaphore(%run_scoped3A : memref<!tpu.dma_semaphore, #tpu.memory_space<semaphore_mem>>) src(%arg5 : memref<128x128xf32, #tpu.memory_space<vmem>>) dst(%dma_wait3A_170 : memref<128x128xf32, #tpu.memory_space<vmem_shared>>)
      tpu.yield
    }) : () -> ()
    %mul3A_21 = arith.constant 632 : i32
    %mul3A_22 = arith.muli %arg1, %mul3A_21 : i32
    %add3A_23 = arith.constant 632 : i32
    %add3A_24 = arith.addi %mul3A_22, %add3A_23 : i32
    %sub3A = arith.constant 120 : i32
    %sub3A_25 = arith.subi %add3A_24, %sub3A : i32
    "tpu.region"() ({
      %run_scoped3A = tpu.sem_alloc : memref<!tpu.dma_semaphore, #tpu.memory_space<semaphore_mem>>
      %dma_start3A_163 = arith.constant 0 : i32
      %dma_start3A_164 = arith.constant 0 : i32
      %dma_start3A_165 = tpu.memref_slice %arg5[%dma_start3A_163, %dma_start3A_164] : memref<128x128xf32, #tpu.memory_space<vmem>> -> memref<120x128xf32, #tpu.memory_space<vmem>>
      %dma_start3A_166 = arith.constant 0 : i32
      %dma_start3A_167 = tpu.memref_slice %arg12[%sub3A_25, %dma_start3A_166] : memref<10112x128xf32, #tpu.memory_space<vmem_shared>> -> memref<120x128xf32, #tpu.memory_space<vmem_shared>>
      %dma_start3A_168 = arith.constant 0 : i32
      %dma_start3A_169 = tpu.memref_slice %arg12[%sub3A_25, %dma_start3A_168] : memref<10112x128xf32, #tpu.memory_space<vmem_shared>> -> memref<120x128xf32, #tpu.memory_space<vmem_shared>>
      %dma_start3A_170 = arith.constant 0 : i32
      %dma_start3A_171 = arith.constant 0 : i32
      %dma_start3A_172 = tpu.memref_slice %arg5[%dma_start3A_170, %dma_start3A_171] : memref<128x128xf32, #tpu.memory_space<vmem>> -> memref<120x128xf32, #tpu.memory_space<vmem>>
      tpu.enqueue_dma source(%dma_start3A_172 : memref<120x128xf32, #tpu.memory_space<vmem>>) target(%dma_start3A_169 : memref<120x128xf32, #tpu.memory_space<vmem_shared>>) target_semaphore(%run_scoped3A : memref<!tpu.dma_semaphore, #tpu.memory_space<semaphore_mem>>)
      %dma_wait3A_173 = arith.constant 0 : i32
      %dma_wait3A_174 = arith.constant 0 : i32
      %dma_wait3A_175 = tpu.memref_slice %arg5[%dma_wait3A_173, %dma_wait3A_174] : memref<128x128xf32, #tpu.memory_space<vmem>> -> memref<120x128xf32, #tpu.memory_space<vmem>>
      %dma_wait3A_176 = arith.constant 0 : i32
      %dma_wait3A_177 = tpu.memref_slice %arg12[%sub3A_25, %dma_wait3A_176] : memref<10112x128xf32, #tpu.memory_space<vmem_shared>> -> memref<120x128xf32, #tpu.memory_space<vmem_shared>>
      %dma_wait3A_178 = arith.constant 0 : i32
      %dma_wait3A_179 = tpu.memref_slice %arg12[%sub3A_25, %dma_wait3A_178] : memref<10112x128xf32, #tpu.memory_space<vmem_shared>> -> memref<120x128xf32, #tpu.memory_space<vmem_shared>>
      %dma_wait3A_180 = arith.constant 0 : i32
      %dma_wait3A_181 = arith.constant 0 : i32
      %dma_wait3A_182 = tpu.memref_slice %arg5[%dma_wait3A_180, %dma_wait3A_181] : memref<128x128xf32, #tpu.memory_space<vmem>> -> memref<120x128xf32, #tpu.memory_space<vmem>>
      tpu.wait_dma2 semaphore(%run_scoped3A : memref<!tpu.dma_semaphore, #tpu.memory_space<semaphore_mem>>) src(%dma_wait3A_182 : memref<120x128xf32, #tpu.memory_space<vmem>>) dst(%dma_wait3A_179 : memref<120x128xf32, #tpu.memory_space<vmem_shared>>)
      tpu.yield
    }) : () -> ()
    %barrier3A = arith.constant 0 : index
    tpu.barrier barrier_id(%barrier3A)
    "tpu.region"() ({
      %run_scoped3A = tpu.sem_alloc : memref<!tpu.dma_semaphore, #tpu.memory_space<semaphore_mem>>
      %dma_start3A_163 = arith.constant 0 : i32
      %dma_start3A_164 = arith.constant 0 : i32
      %dma_start3A_165 = tpu.memref_slice %arg3[%add3A, %dma_start3A_163, %dma_start3A_164] : memref<32x2x10000xi32, #tpu.memory_space<hbm>> -> memref<1x2x128xi32, #tpu.memory_space<hbm>>
      %dma_start3A_166 = tpu.memref_squeeze %dma_start3A_165 : memref<1x2x128xi32, #tpu.memory_space<hbm>> -> memref<2x128xi32, #tpu.memory_space<hbm>>
      %dma_start3A_167 = arith.constant 0 : i32
      %dma_start3A_168 = arith.constant 0 : i32
      %dma_start3A_169 = tpu.memref_slice %arg3[%add3A, %dma_start3A_167, %dma_start3A_168] : memref<32x2x10000xi32, #tpu.memory_space<hbm>> -> memref<1x2x128xi32, #tpu.memory_space<hbm>>
      %dma_start3A_170 = tpu.memref_squeeze %dma_start3A_169 : memref<1x2x128xi32, #tpu.memory_space<hbm>> -> memref<2x128xi32, #tpu.memory_space<hbm>>
      tpu.enqueue_dma source(%dma_start3A_170 : memref<2x128xi32, #tpu.memory_space<hbm>>) target(%arg8 : memref<2x128xi32, #tpu.memory_space<vmem>>) target_semaphore(%run_scoped3A : memref<!tpu.dma_semaphore, #tpu.memory_space<semaphore_mem>>)
      %dma_wait3A_171 = arith.constant 0 : i32
      %dma_wait3A_172 = arith.constant 0 : i32
      %dma_wait3A_173 = tpu.memref_slice %arg3[%add3A, %dma_wait3A_171, %dma_wait3A_172] : memref<32x2x10000xi32, #tpu.memory_space<hbm>> -> memref<1x2x128xi32, #tpu.memory_space<hbm>>
      %dma_wait3A_174 = tpu.memref_squeeze %dma_wait3A_173 : memref<1x2x128xi32, #tpu.memory_space<hbm>> -> memref<2x128xi32, #tpu.memory_space<hbm>>
      %dma_wait3A_175 = arith.constant 0 : i32
      %dma_wait3A_176 = arith.constant 0 : i32
      %dma_wait3A_177 = tpu.memref_slice %arg3[%add3A, %dma_wait3A_175, %dma_wait3A_176] : memref<32x2x10000xi32, #tpu.memory_space<hbm>> -> memref<1x2x128xi32, #tpu.memory_space<hbm>>
      %dma_wait3A_178 = tpu.memref_squeeze %dma_wait3A_177 : memref<1x2x128xi32, #tpu.memory_space<hbm>> -> memref<2x128xi32, #tpu.memory_space<hbm>>
      tpu.wait_dma2 semaphore(%run_scoped3A : memref<!tpu.dma_semaphore, #tpu.memory_space<semaphore_mem>>) src(%dma_wait3A_178 : memref<2x128xi32, #tpu.memory_space<hbm>>) dst(%arg8 : memref<2x128xi32, #tpu.memory_space<vmem>>)
      tpu.yield
    }) : () -> ()
    %dma_start3A = arith.constant 0 : i32
    %dma_start3A_26 = arith.constant 0 : i32
    %dma_start3A_27 = tpu.memref_slice %arg8[%dma_start3A, %dma_start3A_26] : memref<2x128xi32, #tpu.memory_space<vmem>> -> memref<1x128xi32, #tpu.memory_space<vmem>>
    %dma_start3A_28 = tpu.memref_squeeze %dma_start3A_27 : memref<1x128xi32, #tpu.memory_space<vmem>> -> memref<128xi32, #tpu.memory_space<vmem>>
    %dma_start3A_29 = arith.constant 0 : i32
    %dma_start3A_30 = arith.constant 0 : i32
    %dma_start3A_31 = tpu.memref_slice %arg2[%dma_start3A_29, %dma_start3A_30] : memref<10000x128xf32, #tpu.memory_space<hbm>> -> memref<10000x128xf32, #tpu.memory_space<hbm>>
    tpu.enqueue_indirect_dma source(%dma_start3A_31 : memref<10000x128xf32, #tpu.memory_space<hbm>>) target(%arg5 : memref<128x128xf32, #tpu.memory_space<vmem>>) offsets(%dma_start3A_28 : memref<128xi32, #tpu.memory_space<vmem>>) semaphore(%arg13 : memref<!tpu.dma_semaphore, #tpu.memory_space<semaphore_mem>>)
    "tpu.region"() ({
      %run_scoped3A = tpu.sem_alloc : memref<!tpu.dma_semaphore, #tpu.memory_space<semaphore_mem>>
      %dma_start3A_163 = arith.constant 0 : i32
      %dma_start3A_164 = arith.constant 128 : i32
      %dma_start3A_165 = tpu.memref_slice %arg3[%add3A, %dma_start3A_163, %dma_start3A_164] : memref<32x2x10000xi32, #tpu.memory_space<hbm>> -> memref<1x2x128xi32, #tpu.memory_space<hbm>>
      %dma_start3A_166 = tpu.memref_squeeze %dma_start3A_165 : memref<1x2x128xi32, #tpu.memory_space<hbm>> -> memref<2x128xi32, #tpu.memory_space<hbm>>
      %dma_start3A_167 = arith.constant 0 : i32
      %dma_start3A_168 = arith.constant 128 : i32
      %dma_start3A_169 = tpu.memref_slice %arg3[%add3A, %dma_start3A_167, %dma_start3A_168] : memref<32x2x10000xi32, #tpu.memory_space<hbm>> -> memref<1x2x128xi32, #tpu.memory_space<hbm>>
      %dma_start3A_170 = tpu.memref_squeeze %dma_start3A_169 : memref<1x2x128xi32, #tpu.memory_space<hbm>> -> memref<2x128xi32, #tpu.memory_space<hbm>>
      tpu.enqueue_dma source(%dma_start3A_170 : memref<2x128xi32, #tpu.memory_space<hbm>>) target(%arg9 : memref<2x128xi32, #tpu.memory_space<vmem>>) target_semaphore(%run_scoped3A : memref<!tpu.dma_semaphore, #tpu.memory_space<semaphore_mem>>)
      %dma_wait3A_171 = arith.constant 0 : i32
      %dma_wait3A_172 = arith.constant 128 : i32
      %dma_wait3A_173 = tpu.memref_slice %arg3[%add3A, %dma_wait3A_171, %dma_wait3A_172] : memref<32x2x10000xi32, #tpu.memory_space<hbm>> -> memref<1x2x128xi32, #tpu.memory_space<hbm>>
      %dma_wait3A_174 = tpu.memref_squeeze %dma_wait3A_173 : memref<1x2x128xi32, #tpu.memory_space<hbm>> -> memref<2x128xi32, #tpu.memory_space<hbm>>
      %dma_wait3A_175 = arith.constant 0 : i32
      %dma_wait3A_176 = arith.constant 128 : i32
      %dma_wait3A_177 = tpu.memref_slice %arg3[%add3A, %dma_wait3A_175, %dma_wait3A_176] : memref<32x2x10000xi32, #tpu.memory_space<hbm>> -> memref<1x2x128xi32, #tpu.memory_space<hbm>>
      %dma_wait3A_178 = tpu.memref_squeeze %dma_wait3A_177 : memref<1x2x128xi32, #tpu.memory_space<hbm>> -> memref<2x128xi32, #tpu.memory_space<hbm>>
      tpu.wait_dma2 semaphore(%run_scoped3A : memref<!tpu.dma_semaphore, #tpu.memory_space<semaphore_mem>>) src(%dma_wait3A_178 : memref<2x128xi32, #tpu.memory_space<hbm>>) dst(%arg9 : memref<2x128xi32, #tpu.memory_space<vmem>>)
      tpu.yield
    }) : () -> ()
    %dma_start3A_32 = arith.constant 0 : i32
    %dma_start3A_33 = arith.constant 0 : i32
    %dma_start3A_34 = tpu.memref_slice %arg9[%dma_start3A_32, %dma_start3A_33] : memref<2x128xi32, #tpu.memory_space<vmem>> -> memref<1x128xi32, #tpu.memory_space<vmem>>
    %dma_start3A_35 = tpu.memref_squeeze %dma_start3A_34 : memref<1x128xi32, #tpu.memory_space<vmem>> -> memref<128xi32, #tpu.memory_space<vmem>>
    %dma_start3A_36 = arith.constant 0 : i32
    %dma_start3A_37 = arith.constant 0 : i32
    %dma_start3A_38 = tpu.memref_slice %arg2[%dma_start3A_36, %dma_start3A_37] : memref<10000x128xf32, #tpu.memory_space<hbm>> -> memref<10000x128xf32, #tpu.memory_space<hbm>>
    tpu.enqueue_indirect_dma source(%dma_start3A_38 : memref<10000x128xf32, #tpu.memory_space<hbm>>) target(%arg6 : memref<128x128xf32, #tpu.memory_space<vmem>>) offsets(%dma_start3A_35 : memref<128xi32, #tpu.memory_space<vmem>>) semaphore(%arg14 : memref<!tpu.dma_semaphore, #tpu.memory_space<semaphore_mem>>)
    %scan3A_39 = arith.constant 0 : i32
    %scan3A_40 = arith.constant 25 : i32
    %scan3A_41 = arith.addi %scan3A_39, %scan3A_40 : i32
    %scan3A_42 = arith.constant 1 : i32
    scf.for %scan3A_163 = %scan3A_39 to %scan3A_41 step %scan3A_42  : i32 {
      %mul3A_164 = arith.constant 1 : i32
      %mul3A_165 = arith.muli %scan3A_163, %mul3A_164 : i32
      %add3A_166 = arith.constant 0 : i32
      %add3A_167 = arith.addi %add3A_166, %mul3A_165 : i32
      %mul3A_168 = arith.constant 3 : i32
      %mul3A_169 = arith.muli %mul3A_168, %add3A_167 : i32
      %add3A_170 = arith.constant 0 : i32
      %add3A_171 = arith.addi %mul3A_169, %add3A_170 : i32
      %dma_wait3A_172 = arith.constant 0 : i32
      %dma_wait3A_173 = arith.constant 0 : i32
      %dma_wait3A_174 = tpu.memref_slice %arg8[%dma_wait3A_172, %dma_wait3A_173] : memref<2x128xi32, #tpu.memory_space<vmem>> -> memref<1x128xi32, #tpu.memory_space<vmem>>
      %dma_wait3A_175 = tpu.memref_squeeze %dma_wait3A_174 : memref<1x128xi32, #tpu.memory_space<vmem>> -> memref<128xi32, #tpu.memory_space<vmem>>
      %dma_wait3A_176 = arith.constant 0 : i32
      %dma_wait3A_177 = arith.constant 0 : i32
      %dma_wait3A_178 = tpu.memref_slice %arg2[%dma_wait3A_176, %dma_wait3A_177] : memref<10000x128xf32, #tpu.memory_space<hbm>> -> memref<10000x128xf32, #tpu.memory_space<hbm>>
      tpu.wait_indirect_dma semaphore(%arg13 : memref<!tpu.dma_semaphore, #tpu.memory_space<semaphore_mem>>) src(%dma_wait3A_178 : memref<10000x128xf32, #tpu.memory_space<hbm>>) dst(%arg5 : memref<128x128xf32, #tpu.memory_space<vmem>>)
      %dma_start3A_179 = arith.constant 1 : i32
      %dma_start3A_180 = arith.constant 0 : i32
      %dma_start3A_181 = tpu.memref_slice %arg8[%dma_start3A_179, %dma_start3A_180] : memref<2x128xi32, #tpu.memory_space<vmem>> -> memref<1x128xi32, #tpu.memory_space<vmem>>
      %dma_start3A_182 = tpu.memref_squeeze %dma_start3A_181 : memref<1x128xi32, #tpu.memory_space<vmem>> -> memref<128xi32, #tpu.memory_space<vmem>>
      %dma_start3A_183 = arith.constant 0 : i32
      %dma_start3A_184 = arith.constant 0 : i32
      %dma_start3A_185 = tpu.memref_slice %arg12[%dma_start3A_183, %dma_start3A_184] : memref<10112x128xf32, #tpu.memory_space<vmem_shared>> -> memref<10112x128xf32, #tpu.memory_space<vmem_shared>>
      tpu.enqueue_indirect_dma source(%arg5 : memref<128x128xf32, #tpu.memory_space<vmem>>) target(%dma_start3A_185 : memref<10112x128xf32, #tpu.memory_space<vmem_shared>>) offsets(%dma_start3A_182 : memref<128xi32, #tpu.memory_space<vmem>>) semaphore(%arg16 : memref<!tpu.dma_semaphore, #tpu.memory_space<semaphore_mem>>) {add = true}
      %gt3A = arith.constant 0 : i32
      %gt3A_186 = arith.cmpi sgt, %add3A_167, %gt3A : i32
      %convert_element_type3A = arith.extui %gt3A_186 : i1 to i32
      %cond3A = arith.constant 0 : i32
      %cond3A_187 = arith.cmpi ne, %convert_element_type3A, %cond3A : i32
      scf.if %cond3A_187 {
        %dma_wait3A_271 = arith.constant 1 : i32
        %dma_wait3A_272 = arith.constant 0 : i32
        %dma_wait3A_273 = tpu.memref_slice %arg10[%dma_wait3A_271, %dma_wait3A_272] : memref<2x128xi32, #tpu.memory_space<vmem>> -> memref<1x128xi32, #tpu.memory_space<vmem>>
        %dma_wait3A_274 = tpu.memref_squeeze %dma_wait3A_273 : memref<1x128xi32, #tpu.memory_space<vmem>> -> memref<128xi32, #tpu.memory_space<vmem>>
        %dma_wait3A_275 = arith.constant 0 : i32
        %dma_wait3A_276 = arith.constant 0 : i32
        %dma_wait3A_277 = tpu.memref_slice %arg12[%dma_wait3A_275, %dma_wait3A_276] : memref<10112x128xf32, #tpu.memory_space<vmem_shared>> -> memref<10112x128xf32, #tpu.memory_space<vmem_shared>>
        tpu.wait_indirect_dma semaphore(%arg18 : memref<!tpu.dma_semaphore, #tpu.memory_space<semaphore_mem>>) src(%arg7 : memref<128x128xf32, #tpu.memory_space<vmem>>) dst(%dma_wait3A_277 : memref<10112x128xf32, #tpu.memory_space<vmem_shared>>)
      } else {
      }
      %add3A_188 = arith.constant 2 : i32
      %add3A_189 = arith.addi %add3A_171, %add3A_188 : i32
      %mul3A_190 = arith.constant 128 : i32
      %mul3A_191 = arith.muli %add3A_189, %mul3A_190 : i32
      "tpu.region"() ({
        %run_scoped3A = tpu.sem_alloc : memref<!tpu.dma_semaphore, #tpu.memory_space<semaphore_mem>>
        %dma_start3A_271 = arith.constant 0 : i32
        %dma_start3A_272 = tpu.memref_slice %arg3[%add3A, %dma_start3A_271, %mul3A_191] : memref<32x2x10000xi32, #tpu.memory_space<hbm>> -> memref<1x2x128xi32, #tpu.memory_space<hbm>>
        %dma_start3A_273 = tpu.memref_squeeze %dma_start3A_272 : memref<1x2x128xi32, #tpu.memory_space<hbm>> -> memref<2x128xi32, #tpu.memory_space<hbm>>
        %dma_start3A_274 = arith.constant 0 : i32
        %dma_start3A_275 = tpu.memref_slice %arg3[%add3A, %dma_start3A_274, %mul3A_191] : memref<32x2x10000xi32, #tpu.memory_space<hbm>> -> memref<1x2x128xi32, #tpu.memory_space<hbm>>
        %dma_start3A_276 = tpu.memref_squeeze %dma_start3A_275 : memref<1x2x128xi32, #tpu.memory_space<hbm>> -> memref<2x128xi32, #tpu.memory_space<hbm>>
        tpu.enqueue_dma source(%dma_start3A_276 : memref<2x128xi32, #tpu.memory_space<hbm>>) target(%arg10 : memref<2x128xi32, #tpu.memory_space<vmem>>) target_semaphore(%run_scoped3A : memref<!tpu.dma_semaphore, #tpu.memory_space<semaphore_mem>>)
        %dma_wait3A_277 = arith.constant 0 : i32
        %dma_wait3A_278 = tpu.memref_slice %arg3[%add3A, %dma_wait3A_277, %mul3A_191] : memref<32x2x10000xi32, #tpu.memory_space<hbm>> -> memref<1x2x128xi32, #tpu.memory_space<hbm>>
        %dma_wait3A_279 = tpu.memref_squeeze %dma_wait3A_278 : memref<1x2x128xi32, #tpu.memory_space<hbm>> -> memref<2x128xi32, #tpu.memory_space<hbm>>
        %dma_wait3A_280 = arith.constant 0 : i32
        %dma_wait3A_281 = tpu.memref_slice %arg3[%add3A, %dma_wait3A_280, %mul3A_191] : memref<32x2x10000xi32, #tpu.memory_space<hbm>> -> memref<1x2x128xi32, #tpu.memory_space<hbm>>
        %dma_wait3A_282 = tpu.memref_squeeze %dma_wait3A_281 : memref<1x2x128xi32, #tpu.memory_space<hbm>> -> memref<2x128xi32, #tpu.memory_space<hbm>>
        tpu.wait_dma2 semaphore(%run_scoped3A : memref<!tpu.dma_semaphore, #tpu.memory_space<semaphore_mem>>) src(%dma_wait3A_282 : memref<2x128xi32, #tpu.memory_space<hbm>>) dst(%arg10 : memref<2x128xi32, #tpu.memory_space<vmem>>)
        tpu.yield
      }) : () -> ()
      %dma_start3A_192 = arith.constant 0 : i32
      %dma_start3A_193 = arith.constant 0 : i32
      %dma_start3A_194 = tpu.memref_slice %arg10[%dma_start3A_192, %dma_start3A_193] : memref<2x128xi32, #tpu.memory_space<vmem>> -> memref<1x128xi32, #tpu.memory_space<vmem>>
      %dma_start3A_195 = tpu.memref_squeeze %dma_start3A_194 : memref<1x128xi32, #tpu.memory_space<vmem>> -> memref<128xi32, #tpu.memory_space<vmem>>
      %dma_start3A_196 = arith.constant 0 : i32
      %dma_start3A_197 = arith.constant 0 : i32
      %dma_start3A_198 = tpu.memref_slice %arg2[%dma_start3A_196, %dma_start3A_197] : memref<10000x128xf32, #tpu.memory_space<hbm>> -> memref<10000x128xf32, #tpu.memory_space<hbm>>
      tpu.enqueue_indirect_dma source(%dma_start3A_198 : memref<10000x128xf32, #tpu.memory_space<hbm>>) target(%arg7 : memref<128x128xf32, #tpu.memory_space<vmem>>) offsets(%dma_start3A_195 : memref<128xi32, #tpu.memory_space<vmem>>) semaphore(%arg15 : memref<!tpu.dma_semaphore, #tpu.memory_space<semaphore_mem>>)
      %mul3A_199 = arith.constant 3 : i32
      %mul3A_200 = arith.muli %mul3A_199, %add3A_167 : i32
      %add3A_201 = arith.constant 1 : i32
      %add3A_202 = arith.addi %mul3A_200, %add3A_201 : i32
      %dma_wait3A_203 = arith.constant 0 : i32
      %dma_wait3A_204 = arith.constant 0 : i32
      %dma_wait3A_205 = tpu.memref_slice %arg9[%dma_wait3A_203, %dma_wait3A_204] : memref<2x128xi32, #tpu.memory_space<vmem>> -> memref<1x128xi32, #tpu.memory_space<vmem>>
      %dma_wait3A_206 = tpu.memref_squeeze %dma_wait3A_205 : memref<1x128xi32, #tpu.memory_space<vmem>> -> memref<128xi32, #tpu.memory_space<vmem>>
      %dma_wait3A_207 = arith.constant 0 : i32
      %dma_wait3A_208 = arith.constant 0 : i32
      %dma_wait3A_209 = tpu.memref_slice %arg2[%dma_wait3A_207, %dma_wait3A_208] : memref<10000x128xf32, #tpu.memory_space<hbm>> -> memref<10000x128xf32, #tpu.memory_space<hbm>>
      tpu.wait_indirect_dma semaphore(%arg14 : memref<!tpu.dma_semaphore, #tpu.memory_space<semaphore_mem>>) src(%dma_wait3A_209 : memref<10000x128xf32, #tpu.memory_space<hbm>>) dst(%arg6 : memref<128x128xf32, #tpu.memory_space<vmem>>)
      %dma_start3A_210 = arith.constant 1 : i32
      %dma_start3A_211 = arith.constant 0 : i32
      %dma_start3A_212 = tpu.memref_slice %arg9[%dma_start3A_210, %dma_start3A_211] : memref<2x128xi32, #tpu.memory_space<vmem>> -> memref<1x128xi32, #tpu.memory_space<vmem>>
      %dma_start3A_213 = tpu.memref_squeeze %dma_start3A_212 : memref<1x128xi32, #tpu.memory_space<vmem>> -> memref<128xi32, #tpu.memory_space<vmem>>
      %dma_start3A_214 = arith.constant 0 : i32
      %dma_start3A_215 = arith.constant 0 : i32
      %dma_start3A_216 = tpu.memref_slice %arg12[%dma_start3A_214, %dma_start3A_215] : memref<10112x128xf32, #tpu.memory_space<vmem_shared>> -> memref<10112x128xf32, #tpu.memory_space<vmem_shared>>
      tpu.enqueue_indirect_dma source(%arg6 : memref<128x128xf32, #tpu.memory_space<vmem>>) target(%dma_start3A_216 : memref<10112x128xf32, #tpu.memory_space<vmem_shared>>) offsets(%dma_start3A_213 : memref<128xi32, #tpu.memory_space<vmem>>) semaphore(%arg17 : memref<!tpu.dma_semaphore, #tpu.memory_space<semaphore_mem>>) {add = true}
      %dma_wait3A_217 = arith.constant 1 : i32
      %dma_wait3A_218 = arith.constant 0 : i32
      %dma_wait3A_219 = tpu.memref_slice %arg8[%dma_wait3A_217, %dma_wait3A_218] : memref<2x128xi32, #tpu.memory_space<vmem>> -> memref<1x128xi32, #tpu.memory_space<vmem>>
      %dma_wait3A_220 = tpu.memref_squeeze %dma_wait3A_219 : memref<1x128xi32, #tpu.memory_space<vmem>> -> memref<128xi32, #tpu.memory_space<vmem>>
      %dma_wait3A_221 = arith.constant 0 : i32
      %dma_wait3A_222 = arith.constant 0 : i32
      %dma_wait3A_223 = tpu.memref_slice %arg12[%dma_wait3A_221, %dma_wait3A_222] : memref<10112x128xf32, #tpu.memory_space<vmem_shared>> -> memref<10112x128xf32, #tpu.memory_space<vmem_shared>>
      tpu.wait_indirect_dma semaphore(%arg16 : memref<!tpu.dma_semaphore, #tpu.memory_space<semaphore_mem>>) src(%arg5 : memref<128x128xf32, #tpu.memory_space<vmem>>) dst(%dma_wait3A_223 : memref<10112x128xf32, #tpu.memory_space<vmem_shared>>)
      %add3A_224 = arith.constant 2 : i32
      %add3A_225 = arith.addi %add3A_202, %add3A_224 : i32
      %mul3A_226 = arith.constant 128 : i32
      %mul3A_227 = arith.muli %add3A_225, %mul3A_226 : i32
      "tpu.region"() ({
        %run_scoped3A = tpu.sem_alloc : memref<!tpu.dma_semaphore, #tpu.memory_space<semaphore_mem>>
        %dma_start3A_271 = arith.constant 0 : i32
        %dma_start3A_272 = tpu.memref_slice %arg3[%add3A, %dma_start3A_271, %mul3A_227] : memref<32x2x10000xi32, #tpu.memory_space<hbm>> -> memref<1x2x128xi32, #tpu.memory_space<hbm>>
        %dma_start3A_273 = tpu.memref_squeeze %dma_start3A_272 : memref<1x2x128xi32, #tpu.memory_space<hbm>> -> memref<2x128xi32, #tpu.memory_space<hbm>>
        %dma_start3A_274 = arith.constant 0 : i32
        %dma_start3A_275 = tpu.memref_slice %arg3[%add3A, %dma_start3A_274, %mul3A_227] : memref<32x2x10000xi32, #tpu.memory_space<hbm>> -> memref<1x2x128xi32, #tpu.memory_space<hbm>>
        %dma_start3A_276 = tpu.memref_squeeze %dma_start3A_275 : memref<1x2x128xi32, #tpu.memory_space<hbm>> -> memref<2x128xi32, #tpu.memory_space<hbm>>
        tpu.enqueue_dma source(%dma_start3A_276 : memref<2x128xi32, #tpu.memory_space<hbm>>) target(%arg8 : memref<2x128xi32, #tpu.memory_space<vmem>>) target_semaphore(%run_scoped3A : memref<!tpu.dma_semaphore, #tpu.memory_space<semaphore_mem>>)
        %dma_wait3A_277 = arith.constant 0 : i32
        %dma_wait3A_278 = tpu.memref_slice %arg3[%add3A, %dma_wait3A_277, %mul3A_227] : memref<32x2x10000xi32, #tpu.memory_space<hbm>> -> memref<1x2x128xi32, #tpu.memory_space<hbm>>
        %dma_wait3A_279 = tpu.memref_squeeze %dma_wait3A_278 : memref<1x2x128xi32, #tpu.memory_space<hbm>> -> memref<2x128xi32, #tpu.memory_space<hbm>>
        %dma_wait3A_280 = arith.constant 0 : i32
        %dma_wait3A_281 = tpu.memref_slice %arg3[%add3A, %dma_wait3A_280, %mul3A_227] : memref<32x2x10000xi32, #tpu.memory_space<hbm>> -> memref<1x2x128xi32, #tpu.memory_space<hbm>>
        %dma_wait3A_282 = tpu.memref_squeeze %dma_wait3A_281 : memref<1x2x128xi32, #tpu.memory_space<hbm>> -> memref<2x128xi32, #tpu.memory_space<hbm>>
        tpu.wait_dma2 semaphore(%run_scoped3A : memref<!tpu.dma_semaphore, #tpu.memory_space<semaphore_mem>>) src(%dma_wait3A_282 : memref<2x128xi32, #tpu.memory_space<hbm>>) dst(%arg8 : memref<2x128xi32, #tpu.memory_space<vmem>>)
        tpu.yield
      }) : () -> ()
      %dma_start3A_228 = arith.constant 0 : i32
      %dma_start3A_229 = arith.constant 0 : i32
      %dma_start3A_230 = tpu.memref_slice %arg8[%dma_start3A_228, %dma_start3A_229] : memref<2x128xi32, #tpu.memory_space<vmem>> -> memref<1x128xi32, #tpu.memory_space<vmem>>
      %dma_start3A_231 = tpu.memref_squeeze %dma_start3A_230 : memref<1x128xi32, #tpu.memory_space<vmem>> -> memref<128xi32, #tpu.memory_space<vmem>>
      %dma_start3A_232 = arith.constant 0 : i32
      %dma_start3A_233 = arith.constant 0 : i32
      %dma_start3A_234 = tpu.memref_slice %arg2[%dma_start3A_232, %dma_start3A_233] : memref<10000x128xf32, #tpu.memory_space<hbm>> -> memref<10000x128xf32, #tpu.memory_space<hbm>>
      tpu.enqueue_indirect_dma source(%dma_start3A_234 : memref<10000x128xf32, #tpu.memory_space<hbm>>) target(%arg5 : memref<128x128xf32, #tpu.memory_space<vmem>>) offsets(%dma_start3A_231 : memref<128xi32, #tpu.memory_space<vmem>>) semaphore(%arg13 : memref<!tpu.dma_semaphore, #tpu.memory_space<semaphore_mem>>)
      %mul3A_235 = arith.constant 3 : i32
      %mul3A_236 = arith.muli %mul3A_235, %add3A_167 : i32
      %add3A_237 = arith.constant 2 : i32
      %add3A_238 = arith.addi %mul3A_236, %add3A_237 : i32
      %dma_wait3A_239 = arith.constant 0 : i32
      %dma_wait3A_240 = arith.constant 0 : i32
      %dma_wait3A_241 = tpu.memref_slice %arg10[%dma_wait3A_239, %dma_wait3A_240] : memref<2x128xi32, #tpu.memory_space<vmem>> -> memref<1x128xi32, #tpu.memory_space<vmem>>
      %dma_wait3A_242 = tpu.memref_squeeze %dma_wait3A_241 : memref<1x128xi32, #tpu.memory_space<vmem>> -> memref<128xi32, #tpu.memory_space<vmem>>
      %dma_wait3A_243 = arith.constant 0 : i32
      %dma_wait3A_244 = arith.constant 0 : i32
      %dma_wait3A_245 = tpu.memref_slice %arg2[%dma_wait3A_243, %dma_wait3A_244] : memref<10000x128xf32, #tpu.memory_space<hbm>> -> memref<10000x128xf32, #tpu.memory_space<hbm>>
      tpu.wait_indirect_dma semaphore(%arg15 : memref<!tpu.dma_semaphore, #tpu.memory_space<semaphore_mem>>) src(%dma_wait3A_245 : memref<10000x128xf32, #tpu.memory_space<hbm>>) dst(%arg7 : memref<128x128xf32, #tpu.memory_space<vmem>>)
      %dma_start3A_246 = arith.constant 1 : i32
      %dma_start3A_247 = arith.constant 0 : i32
      %dma_start3A_248 = tpu.memref_slice %arg10[%dma_start3A_246, %dma_start3A_247] : memref<2x128xi32, #tpu.memory_space<vmem>> -> memref<1x128xi32, #tpu.memory_space<vmem>>
      %dma_start3A_249 = tpu.memref_squeeze %dma_start3A_248 : memref<1x128xi32, #tpu.memory_space<vmem>> -> memref<128xi32, #tpu.memory_space<vmem>>
      %dma_start3A_250 = arith.constant 0 : i32
      %dma_start3A_251 = arith.constant 0 : i32
      %dma_start3A_252 = tpu.memref_slice %arg12[%dma_start3A_250, %dma_start3A_251] : memref<10112x128xf32, #tpu.memory_space<vmem_shared>> -> memref<10112x128xf32, #tpu.memory_space<vmem_shared>>
      tpu.enqueue_indirect_dma source(%arg7 : memref<128x128xf32, #tpu.memory_space<vmem>>) target(%dma_start3A_252 : memref<10112x128xf32, #tpu.memory_space<vmem_shared>>) offsets(%dma_start3A_249 : memref<128xi32, #tpu.memory_space<vmem>>) semaphore(%arg18 : memref<!tpu.dma_semaphore, #tpu.memory_space<semaphore_mem>>) {add = true}
      %dma_wait3A_253 = arith.constant 1 : i32
      %dma_wait3A_254 = arith.constant 0 : i32
      %dma_wait3A_255 = tpu.memref_slice %arg9[%dma_wait3A_253, %dma_wait3A_254] : memref<2x128xi32, #tpu.memory_space<vmem>> -> memref<1x128xi32, #tpu.memory_space<vmem>>
      %dma_wait3A_256 = tpu.memref_squeeze %dma_wait3A_255 : memref<1x128xi32, #tpu.memory_space<vmem>> -> memref<128xi32, #tpu.memory_space<vmem>>
      %dma_wait3A_257 = arith.constant 0 : i32
      %dma_wait3A_258 = arith.constant 0 : i32
      %dma_wait3A_259 = tpu.memref_slice %arg12[%dma_wait3A_257, %dma_wait3A_258] : memref<10112x128xf32, #tpu.memory_space<vmem_shared>> -> memref<10112x128xf32, #tpu.memory_space<vmem_shared>>
      tpu.wait_indirect_dma semaphore(%arg17 : memref<!tpu.dma_semaphore, #tpu.memory_space<semaphore_mem>>) src(%arg6 : memref<128x128xf32, #tpu.memory_space<vmem>>) dst(%dma_wait3A_259 : memref<10112x128xf32, #tpu.memory_space<vmem_shared>>)
      %add3A_260 = arith.constant 2 : i32
      %add3A_261 = arith.addi %add3A_238, %add3A_260 : i32
      %mul3A_262 = arith.constant 128 : i32
      %mul3A_263 = arith.muli %add3A_261, %mul3A_262 : i32
      "tpu.region"() ({
        %run_scoped3A = tpu.sem_alloc : memref<!tpu.dma_semaphore, #tpu.memory_space<semaphore_mem>>
        %dma_start3A_271 = arith.constant 0 : i32
        %dma_start3A_272 = tpu.memref_slice %arg3[%add3A, %dma_start3A_271, %mul3A_263] : memref<32x2x10000xi32, #tpu.memory_space<hbm>> -> memref<1x2x128xi32, #tpu.memory_space<hbm>>
        %dma_start3A_273 = tpu.memref_squeeze %dma_start3A_272 : memref<1x2x128xi32, #tpu.memory_space<hbm>> -> memref<2x128xi32, #tpu.memory_space<hbm>>
        %dma_start3A_274 = arith.constant 0 : i32
        %dma_start3A_275 = tpu.memref_slice %arg3[%add3A, %dma_start3A_274, %mul3A_263] : memref<32x2x10000xi32, #tpu.memory_space<hbm>> -> memref<1x2x128xi32, #tpu.memory_space<hbm>>
        %dma_start3A_276 = tpu.memref_squeeze %dma_start3A_275 : memref<1x2x128xi32, #tpu.memory_space<hbm>> -> memref<2x128xi32, #tpu.memory_space<hbm>>
        tpu.enqueue_dma source(%dma_start3A_276 : memref<2x128xi32, #tpu.memory_space<hbm>>) target(%arg9 : memref<2x128xi32, #tpu.memory_space<vmem>>) target_semaphore(%run_scoped3A : memref<!tpu.dma_semaphore, #tpu.memory_space<semaphore_mem>>)
        %dma_wait3A_277 = arith.constant 0 : i32
        %dma_wait3A_278 = tpu.memref_slice %arg3[%add3A, %dma_wait3A_277, %mul3A_263] : memref<32x2x10000xi32, #tpu.memory_space<hbm>> -> memref<1x2x128xi32, #tpu.memory_space<hbm>>
        %dma_wait3A_279 = tpu.memref_squeeze %dma_wait3A_278 : memref<1x2x128xi32, #tpu.memory_space<hbm>> -> memref<2x128xi32, #tpu.memory_space<hbm>>
        %dma_wait3A_280 = arith.constant 0 : i32
        %dma_wait3A_281 = tpu.memref_slice %arg3[%add3A, %dma_wait3A_280, %mul3A_263] : memref<32x2x10000xi32, #tpu.memory_space<hbm>> -> memref<1x2x128xi32, #tpu.memory_space<hbm>>
        %dma_wait3A_282 = tpu.memref_squeeze %dma_wait3A_281 : memref<1x2x128xi32, #tpu.memory_space<hbm>> -> memref<2x128xi32, #tpu.memory_space<hbm>>
        tpu.wait_dma2 semaphore(%run_scoped3A : memref<!tpu.dma_semaphore, #tpu.memory_space<semaphore_mem>>) src(%dma_wait3A_282 : memref<2x128xi32, #tpu.memory_space<hbm>>) dst(%arg9 : memref<2x128xi32, #tpu.memory_space<vmem>>)
        tpu.yield
      }) : () -> ()
      %dma_start3A_264 = arith.constant 0 : i32
      %dma_start3A_265 = arith.constant 0 : i32
      %dma_start3A_266 = tpu.memref_slice %arg9[%dma_start3A_264, %dma_start3A_265] : memref<2x128xi32, #tpu.memory_space<vmem>> -> memref<1x128xi32, #tpu.memory_space<vmem>>
      %dma_start3A_267 = tpu.memref_squeeze %dma_start3A_266 : memref<1x128xi32, #tpu.memory_space<vmem>> -> memref<128xi32, #tpu.memory_space<vmem>>
      %dma_start3A_268 = arith.constant 0 : i32
      %dma_start3A_269 = arith.constant 0 : i32
      %dma_start3A_270 = tpu.memref_slice %arg2[%dma_start3A_268, %dma_start3A_269] : memref<10000x128xf32, #tpu.memory_space<hbm>> -> memref<10000x128xf32, #tpu.memory_space<hbm>>
      tpu.enqueue_indirect_dma source(%dma_start3A_270 : memref<10000x128xf32, #tpu.memory_space<hbm>>) target(%arg6 : memref<128x128xf32, #tpu.memory_space<vmem>>) offsets(%dma_start3A_267 : memref<128xi32, #tpu.memory_space<vmem>>) semaphore(%arg14 : memref<!tpu.dma_semaphore, #tpu.memory_space<semaphore_mem>>)
    }
    %scan3A_43 = arith.constant 25 : i32
    %dma_wait3A = arith.constant 0 : i32
    %dma_wait3A_44 = arith.constant 0 : i32
    %dma_wait3A_45 = tpu.memref_slice %arg8[%dma_wait3A, %dma_wait3A_44] : memref<2x128xi32, #tpu.memory_space<vmem>> -> memref<1x128xi32, #tpu.memory_space<vmem>>
    %dma_wait3A_46 = tpu.memref_squeeze %dma_wait3A_45 : memref<1x128xi32, #tpu.memory_space<vmem>> -> memref<128xi32, #tpu.memory_space<vmem>>
    %dma_wait3A_47 = arith.constant 0 : i32
    %dma_wait3A_48 = arith.constant 0 : i32
    %dma_wait3A_49 = tpu.memref_slice %arg2[%dma_wait3A_47, %dma_wait3A_48] : memref<10000x128xf32, #tpu.memory_space<hbm>> -> memref<10000x128xf32, #tpu.memory_space<hbm>>
    tpu.wait_indirect_dma semaphore(%arg13 : memref<!tpu.dma_semaphore, #tpu.memory_space<semaphore_mem>>) src(%dma_wait3A_49 : memref<10000x128xf32, #tpu.memory_space<hbm>>) dst(%arg5 : memref<128x128xf32, #tpu.memory_space<vmem>>)
    %dma_start3A_50 = arith.constant 1 : i32
    %dma_start3A_51 = arith.constant 0 : i32
    %dma_start3A_52 = tpu.memref_slice %arg8[%dma_start3A_50, %dma_start3A_51] : memref<2x128xi32, #tpu.memory_space<vmem>> -> memref<1x128xi32, #tpu.memory_space<vmem>>
    %dma_start3A_53 = tpu.memref_squeeze %dma_start3A_52 : memref<1x128xi32, #tpu.memory_space<vmem>> -> memref<128xi32, #tpu.memory_space<vmem>>
    %dma_start3A_54 = arith.constant 0 : i32
    %dma_start3A_55 = arith.constant 0 : i32
    %dma_start3A_56 = tpu.memref_slice %arg12[%dma_start3A_54, %dma_start3A_55] : memref<10112x128xf32, #tpu.memory_space<vmem_shared>> -> memref<10112x128xf32, #tpu.memory_space<vmem_shared>>
    tpu.enqueue_indirect_dma source(%arg5 : memref<128x128xf32, #tpu.memory_space<vmem>>) target(%dma_start3A_56 : memref<10112x128xf32, #tpu.memory_space<vmem_shared>>) offsets(%dma_start3A_53 : memref<128xi32, #tpu.memory_space<vmem>>) semaphore(%arg16 : memref<!tpu.dma_semaphore, #tpu.memory_space<semaphore_mem>>) {add = true}
    %dma_wait3A_57 = arith.constant 1 : i32
    %dma_wait3A_58 = arith.constant 0 : i32
    %dma_wait3A_59 = tpu.memref_slice %arg10[%dma_wait3A_57, %dma_wait3A_58] : memref<2x128xi32, #tpu.memory_space<vmem>> -> memref<1x128xi32, #tpu.memory_space<vmem>>
    %dma_wait3A_60 = tpu.memref_squeeze %dma_wait3A_59 : memref<1x128xi32, #tpu.memory_space<vmem>> -> memref<128xi32, #tpu.memory_space<vmem>>
    %dma_wait3A_61 = arith.constant 0 : i32
    %dma_wait3A_62 = arith.constant 0 : i32
    %dma_wait3A_63 = tpu.memref_slice %arg12[%dma_wait3A_61, %dma_wait3A_62] : memref<10112x128xf32, #tpu.memory_space<vmem_shared>> -> memref<10112x128xf32, #tpu.memory_space<vmem_shared>>
    tpu.wait_indirect_dma semaphore(%arg18 : memref<!tpu.dma_semaphore, #tpu.memory_space<semaphore_mem>>) src(%arg7 : memref<128x128xf32, #tpu.memory_space<vmem>>) dst(%dma_wait3A_63 : memref<10112x128xf32, #tpu.memory_space<vmem_shared>>)
    "tpu.region"() ({
      %run_scoped3A = tpu.sem_alloc : memref<!tpu.dma_semaphore, #tpu.memory_space<semaphore_mem>>
      %dma_start3A_163 = arith.constant 0 : i32
      %dma_start3A_164 = arith.constant 9856 : i32
      %dma_start3A_165 = tpu.memref_slice %arg3[%add3A, %dma_start3A_163, %dma_start3A_164] : memref<32x2x10000xi32, #tpu.memory_space<hbm>> -> memref<1x2x128xi32, #tpu.memory_space<hbm>>
      %dma_start3A_166 = tpu.memref_squeeze %dma_start3A_165 : memref<1x2x128xi32, #tpu.memory_space<hbm>> -> memref<2x128xi32, #tpu.memory_space<hbm>>
      %dma_start3A_167 = arith.constant 0 : i32
      %dma_start3A_168 = arith.constant 9856 : i32
      %dma_start3A_169 = tpu.memref_slice %arg3[%add3A, %dma_start3A_167, %dma_start3A_168] : memref<32x2x10000xi32, #tpu.memory_space<hbm>> -> memref<1x2x128xi32, #tpu.memory_space<hbm>>
      %dma_start3A_170 = tpu.memref_squeeze %dma_start3A_169 : memref<1x2x128xi32, #tpu.memory_space<hbm>> -> memref<2x128xi32, #tpu.memory_space<hbm>>
      tpu.enqueue_dma source(%dma_start3A_170 : memref<2x128xi32, #tpu.memory_space<hbm>>) target(%arg10 : memref<2x128xi32, #tpu.memory_space<vmem>>) target_semaphore(%run_scoped3A : memref<!tpu.dma_semaphore, #tpu.memory_space<semaphore_mem>>)
      %dma_wait3A_171 = arith.constant 0 : i32
      %dma_wait3A_172 = arith.constant 9856 : i32
      %dma_wait3A_173 = tpu.memref_slice %arg3[%add3A, %dma_wait3A_171, %dma_wait3A_172] : memref<32x2x10000xi32, #tpu.memory_space<hbm>> -> memref<1x2x128xi32, #tpu.memory_space<hbm>>
      %dma_wait3A_174 = tpu.memref_squeeze %dma_wait3A_173 : memref<1x2x128xi32, #tpu.memory_space<hbm>> -> memref<2x128xi32, #tpu.memory_space<hbm>>
      %dma_wait3A_175 = arith.constant 0 : i32
      %dma_wait3A_176 = arith.constant 9856 : i32
      %dma_wait3A_177 = tpu.memref_slice %arg3[%add3A, %dma_wait3A_175, %dma_wait3A_176] : memref<32x2x10000xi32, #tpu.memory_space<hbm>> -> memref<1x2x128xi32, #tpu.memory_space<hbm>>
      %dma_wait3A_178 = tpu.memref_squeeze %dma_wait3A_177 : memref<1x2x128xi32, #tpu.memory_space<hbm>> -> memref<2x128xi32, #tpu.memory_space<hbm>>
      tpu.wait_dma2 semaphore(%run_scoped3A : memref<!tpu.dma_semaphore, #tpu.memory_space<semaphore_mem>>) src(%dma_wait3A_178 : memref<2x128xi32, #tpu.memory_space<hbm>>) dst(%arg10 : memref<2x128xi32, #tpu.memory_space<vmem>>)
      tpu.yield
    }) : () -> ()
    %dma_start3A_64 = arith.constant 0 : i32
    %dma_start3A_65 = arith.constant 0 : i32
    %dma_start3A_66 = tpu.memref_slice %arg10[%dma_start3A_64, %dma_start3A_65] : memref<2x128xi32, #tpu.memory_space<vmem>> -> memref<1x128xi32, #tpu.memory_space<vmem>>
    %dma_start3A_67 = tpu.memref_squeeze %dma_start3A_66 : memref<1x128xi32, #tpu.memory_space<vmem>> -> memref<128xi32, #tpu.memory_space<vmem>>
    %dma_start3A_68 = arith.constant 0 : i32
    %dma_start3A_69 = arith.constant 0 : i32
    %dma_start3A_70 = tpu.memref_slice %arg2[%dma_start3A_68, %dma_start3A_69] : memref<10000x128xf32, #tpu.memory_space<hbm>> -> memref<10000x128xf32, #tpu.memory_space<hbm>>
    tpu.enqueue_indirect_dma source(%dma_start3A_70 : memref<10000x128xf32, #tpu.memory_space<hbm>>) target(%arg7 : memref<128x128xf32, #tpu.memory_space<vmem>>) offsets(%dma_start3A_67 : memref<128xi32, #tpu.memory_space<vmem>>) semaphore(%arg15 : memref<!tpu.dma_semaphore, #tpu.memory_space<semaphore_mem>>)
    %dma_wait3A_71 = arith.constant 0 : i32
    %dma_wait3A_72 = arith.constant 0 : i32
    %dma_wait3A_73 = tpu.memref_slice %arg9[%dma_wait3A_71, %dma_wait3A_72] : memref<2x128xi32, #tpu.memory_space<vmem>> -> memref<1x128xi32, #tpu.memory_space<vmem>>
    %dma_wait3A_74 = tpu.memref_squeeze %dma_wait3A_73 : memref<1x128xi32, #tpu.memory_space<vmem>> -> memref<128xi32, #tpu.memory_space<vmem>>
    %dma_wait3A_75 = arith.constant 0 : i32
    %dma_wait3A_76 = arith.constant 0 : i32
    %dma_wait3A_77 = tpu.memref_slice %arg2[%dma_wait3A_75, %dma_wait3A_76] : memref<10000x128xf32, #tpu.memory_space<hbm>> -> memref<10000x128xf32, #tpu.memory_space<hbm>>
    tpu.wait_indirect_dma semaphore(%arg14 : memref<!tpu.dma_semaphore, #tpu.memory_space<semaphore_mem>>) src(%dma_wait3A_77 : memref<10000x128xf32, #tpu.memory_space<hbm>>) dst(%arg6 : memref<128x128xf32, #tpu.memory_space<vmem>>)
    %dma_start3A_78 = arith.constant 1 : i32
    %dma_start3A_79 = arith.constant 0 : i32
    %dma_start3A_80 = tpu.memref_slice %arg9[%dma_start3A_78, %dma_start3A_79] : memref<2x128xi32, #tpu.memory_space<vmem>> -> memref<1x128xi32, #tpu.memory_space<vmem>>
    %dma_start3A_81 = tpu.memref_squeeze %dma_start3A_80 : memref<1x128xi32, #tpu.memory_space<vmem>> -> memref<128xi32, #tpu.memory_space<vmem>>
    %dma_start3A_82 = arith.constant 0 : i32
    %dma_start3A_83 = arith.constant 0 : i32
    %dma_start3A_84 = tpu.memref_slice %arg12[%dma_start3A_82, %dma_start3A_83] : memref<10112x128xf32, #tpu.memory_space<vmem_shared>> -> memref<10112x128xf32, #tpu.memory_space<vmem_shared>>
    tpu.enqueue_indirect_dma source(%arg6 : memref<128x128xf32, #tpu.memory_space<vmem>>) target(%dma_start3A_84 : memref<10112x128xf32, #tpu.memory_space<vmem_shared>>) offsets(%dma_start3A_81 : memref<128xi32, #tpu.memory_space<vmem>>) semaphore(%arg17 : memref<!tpu.dma_semaphore, #tpu.memory_space<semaphore_mem>>) {add = true}
    %dma_wait3A_85 = arith.constant 0 : i32
    %dma_wait3A_86 = arith.constant 0 : i32
    %dma_wait3A_87 = tpu.memref_slice %arg10[%dma_wait3A_85, %dma_wait3A_86] : memref<2x128xi32, #tpu.memory_space<vmem>> -> memref<1x128xi32, #tpu.memory_space<vmem>>
    %dma_wait3A_88 = tpu.memref_squeeze %dma_wait3A_87 : memref<1x128xi32, #tpu.memory_space<vmem>> -> memref<128xi32, #tpu.memory_space<vmem>>
    %dma_wait3A_89 = arith.constant 0 : i32
    %dma_wait3A_90 = arith.constant 0 : i32
    %dma_wait3A_91 = tpu.memref_slice %arg2[%dma_wait3A_89, %dma_wait3A_90] : memref<10000x128xf32, #tpu.memory_space<hbm>> -> memref<10000x128xf32, #tpu.memory_space<hbm>>
    tpu.wait_indirect_dma semaphore(%arg15 : memref<!tpu.dma_semaphore, #tpu.memory_space<semaphore_mem>>) src(%dma_wait3A_91 : memref<10000x128xf32, #tpu.memory_space<hbm>>) dst(%arg7 : memref<128x128xf32, #tpu.memory_space<vmem>>)
    %dma_start3A_92 = arith.constant 1 : i32
    %dma_start3A_93 = arith.constant 0 : i32
    %dma_start3A_94 = tpu.memref_slice %arg10[%dma_start3A_92, %dma_start3A_93] : memref<2x128xi32, #tpu.memory_space<vmem>> -> memref<1x128xi32, #tpu.memory_space<vmem>>
    %dma_start3A_95 = tpu.memref_squeeze %dma_start3A_94 : memref<1x128xi32, #tpu.memory_space<vmem>> -> memref<128xi32, #tpu.memory_space<vmem>>
    %dma_start3A_96 = arith.constant 0 : i32
    %dma_start3A_97 = arith.constant 0 : i32
    %dma_start3A_98 = tpu.memref_slice %arg12[%dma_start3A_96, %dma_start3A_97] : memref<10112x128xf32, #tpu.memory_space<vmem_shared>> -> memref<10112x128xf32, #tpu.memory_space<vmem_shared>>
    tpu.enqueue_indirect_dma source(%arg7 : memref<128x128xf32, #tpu.memory_space<vmem>>) target(%dma_start3A_98 : memref<10112x128xf32, #tpu.memory_space<vmem_shared>>) offsets(%dma_start3A_95 : memref<128xi32, #tpu.memory_space<vmem>>) semaphore(%arg18 : memref<!tpu.dma_semaphore, #tpu.memory_space<semaphore_mem>>) {add = true}
    "tpu.region"() ({
      %run_scoped3A = tpu.sem_alloc : memref<!tpu.dma_semaphore, #tpu.memory_space<semaphore_mem>>
      %dma_start3A_163 = arith.constant 0 : i32
      %dma_start3A_164 = arith.constant 9984 : i32
      %dma_start3A_165 = tpu.memref_slice %arg3[%add3A, %dma_start3A_163, %dma_start3A_164] : memref<32x2x10000xi32, #tpu.memory_space<hbm>> -> memref<1x2x16xi32, #tpu.memory_space<hbm>>
      %dma_start3A_166 = tpu.memref_squeeze %dma_start3A_165 : memref<1x2x16xi32, #tpu.memory_space<hbm>> -> memref<2x16xi32, #tpu.memory_space<hbm>>
      %dma_start3A_167 = arith.constant 0 : i32
      %dma_start3A_168 = arith.constant 9984 : i32
      %dma_start3A_169 = tpu.memref_slice %arg3[%add3A, %dma_start3A_167, %dma_start3A_168] : memref<32x2x10000xi32, #tpu.memory_space<hbm>> -> memref<1x2x16xi32, #tpu.memory_space<hbm>>
      %dma_start3A_170 = tpu.memref_squeeze %dma_start3A_169 : memref<1x2x16xi32, #tpu.memory_space<hbm>> -> memref<2x16xi32, #tpu.memory_space<hbm>>
      tpu.enqueue_dma source(%dma_start3A_170 : memref<2x16xi32, #tpu.memory_space<hbm>>) target(%arg11 : memref<2x16xi32, #tpu.memory_space<vmem>>) target_semaphore(%run_scoped3A : memref<!tpu.dma_semaphore, #tpu.memory_space<semaphore_mem>>)
      %dma_wait3A_171 = arith.constant 0 : i32
      %dma_wait3A_172 = arith.constant 9984 : i32
      %dma_wait3A_173 = tpu.memref_slice %arg3[%add3A, %dma_wait3A_171, %dma_wait3A_172] : memref<32x2x10000xi32, #tpu.memory_space<hbm>> -> memref<1x2x16xi32, #tpu.memory_space<hbm>>
      %dma_wait3A_174 = tpu.memref_squeeze %dma_wait3A_173 : memref<1x2x16xi32, #tpu.memory_space<hbm>> -> memref<2x16xi32, #tpu.memory_space<hbm>>
      %dma_wait3A_175 = arith.constant 0 : i32
      %dma_wait3A_176 = arith.constant 9984 : i32
      %dma_wait3A_177 = tpu.memref_slice %arg3[%add3A, %dma_wait3A_175, %dma_wait3A_176] : memref<32x2x10000xi32, #tpu.memory_space<hbm>> -> memref<1x2x16xi32, #tpu.memory_space<hbm>>
      %dma_wait3A_178 = tpu.memref_squeeze %dma_wait3A_177 : memref<1x2x16xi32, #tpu.memory_space<hbm>> -> memref<2x16xi32, #tpu.memory_space<hbm>>
      tpu.wait_dma2 semaphore(%run_scoped3A : memref<!tpu.dma_semaphore, #tpu.memory_space<semaphore_mem>>) src(%dma_wait3A_178 : memref<2x16xi32, #tpu.memory_space<hbm>>) dst(%arg11 : memref<2x16xi32, #tpu.memory_space<vmem>>)
      tpu.yield
    }) : () -> ()
    %dma_wait3A_99 = arith.constant 1 : i32
    %dma_wait3A_100 = arith.constant 0 : i32
    %dma_wait3A_101 = tpu.memref_slice %arg8[%dma_wait3A_99, %dma_wait3A_100] : memref<2x128xi32, #tpu.memory_space<vmem>> -> memref<1x128xi32, #tpu.memory_space<vmem>>
    %dma_wait3A_102 = tpu.memref_squeeze %dma_wait3A_101 : memref<1x128xi32, #tpu.memory_space<vmem>> -> memref<128xi32, #tpu.memory_space<vmem>>
    %dma_wait3A_103 = arith.constant 0 : i32
    %dma_wait3A_104 = arith.constant 0 : i32
    %dma_wait3A_105 = tpu.memref_slice %arg12[%dma_wait3A_103, %dma_wait3A_104] : memref<10112x128xf32, #tpu.memory_space<vmem_shared>> -> memref<10112x128xf32, #tpu.memory_space<vmem_shared>>
    tpu.wait_indirect_dma semaphore(%arg16 : memref<!tpu.dma_semaphore, #tpu.memory_space<semaphore_mem>>) src(%arg5 : memref<128x128xf32, #tpu.memory_space<vmem>>) dst(%dma_wait3A_105 : memref<10112x128xf32, #tpu.memory_space<vmem_shared>>)
    %dma_start3A_106 = arith.constant 0 : i32
    %dma_start3A_107 = arith.constant 0 : i32
    %dma_start3A_108 = arith.constant 0 : i32
    %dma_start3A_109 = tpu.memref_slice %arg5[%dma_start3A_107, %dma_start3A_108] : memref<128x128xf32, #tpu.memory_space<vmem>> -> memref<16x128xf32, #tpu.memory_space<vmem>>
    %dma_start3A_110 = arith.constant 0 : i32
    %dma_start3A_111 = tpu.memref_slice %arg11[%dma_start3A_106, %dma_start3A_110] : memref<2x16xi32, #tpu.memory_space<vmem>> -> memref<1x16xi32, #tpu.memory_space<vmem>>
    %dma_start3A_112 = tpu.memref_squeeze %dma_start3A_111 : memref<1x16xi32, #tpu.memory_space<vmem>> -> memref<16xi32, #tpu.memory_space<vmem>>
    %dma_start3A_113 = arith.constant 0 : i32
    %dma_start3A_114 = arith.constant 0 : i32
    %dma_start3A_115 = tpu.memref_slice %arg2[%dma_start3A_113, %dma_start3A_114] : memref<10000x128xf32, #tpu.memory_space<hbm>> -> memref<10000x128xf32, #tpu.memory_space<hbm>>
    tpu.enqueue_indirect_dma source(%dma_start3A_115 : memref<10000x128xf32, #tpu.memory_space<hbm>>) target(%dma_start3A_109 : memref<16x128xf32, #tpu.memory_space<vmem>>) offsets(%dma_start3A_112 : memref<16xi32, #tpu.memory_space<vmem>>) semaphore(%arg13 : memref<!tpu.dma_semaphore, #tpu.memory_space<semaphore_mem>>)
    %dma_wait3A_116 = arith.constant 0 : i32
    %dma_wait3A_117 = arith.constant 0 : i32
    %dma_wait3A_118 = arith.constant 0 : i32
    %dma_wait3A_119 = tpu.memref_slice %arg5[%dma_wait3A_117, %dma_wait3A_118] : memref<128x128xf32, #tpu.memory_space<vmem>> -> memref<16x128xf32, #tpu.memory_space<vmem>>
    %dma_wait3A_120 = arith.constant 0 : i32
    %dma_wait3A_121 = tpu.memref_slice %arg11[%dma_wait3A_116, %dma_wait3A_120] : memref<2x16xi32, #tpu.memory_space<vmem>> -> memref<1x16xi32, #tpu.memory_space<vmem>>
    %dma_wait3A_122 = tpu.memref_squeeze %dma_wait3A_121 : memref<1x16xi32, #tpu.memory_space<vmem>> -> memref<16xi32, #tpu.memory_space<vmem>>
    %dma_wait3A_123 = arith.constant 0 : i32
    %dma_wait3A_124 = arith.constant 0 : i32
    %dma_wait3A_125 = tpu.memref_slice %arg2[%dma_wait3A_123, %dma_wait3A_124] : memref<10000x128xf32, #tpu.memory_space<hbm>> -> memref<10000x128xf32, #tpu.memory_space<hbm>>
    tpu.wait_indirect_dma semaphore(%arg13 : memref<!tpu.dma_semaphore, #tpu.memory_space<semaphore_mem>>) src(%dma_wait3A_125 : memref<10000x128xf32, #tpu.memory_space<hbm>>) dst(%dma_wait3A_119 : memref<16x128xf32, #tpu.memory_space<vmem>>)
    %dma_start3A_126 = arith.constant 1 : i32
    %dma_start3A_127 = arith.constant 0 : i32
    %dma_start3A_128 = arith.constant 0 : i32
    %dma_start3A_129 = tpu.memref_slice %arg5[%dma_start3A_127, %dma_start3A_128] : memref<128x128xf32, #tpu.memory_space<vmem>> -> memref<16x128xf32, #tpu.memory_space<vmem>>
    %dma_start3A_130 = arith.constant 0 : i32
    %dma_start3A_131 = tpu.memref_slice %arg11[%dma_start3A_126, %dma_start3A_130] : memref<2x16xi32, #tpu.memory_space<vmem>> -> memref<1x16xi32, #tpu.memory_space<vmem>>
    %dma_start3A_132 = tpu.memref_squeeze %dma_start3A_131 : memref<1x16xi32, #tpu.memory_space<vmem>> -> memref<16xi32, #tpu.memory_space<vmem>>
    %dma_start3A_133 = arith.constant 0 : i32
    %dma_start3A_134 = arith.constant 0 : i32
    %dma_start3A_135 = tpu.memref_slice %arg12[%dma_start3A_133, %dma_start3A_134] : memref<10112x128xf32, #tpu.memory_space<vmem_shared>> -> memref<10112x128xf32, #tpu.memory_space<vmem_shared>>
    tpu.enqueue_indirect_dma source(%dma_start3A_129 : memref<16x128xf32, #tpu.memory_space<vmem>>) target(%dma_start3A_135 : memref<10112x128xf32, #tpu.memory_space<vmem_shared>>) offsets(%dma_start3A_132 : memref<16xi32, #tpu.memory_space<vmem>>) semaphore(%arg16 : memref<!tpu.dma_semaphore, #tpu.memory_space<semaphore_mem>>) {add = true}
    %dma_wait3A_136 = arith.constant 1 : i32
    %dma_wait3A_137 = arith.constant 0 : i32
    %dma_wait3A_138 = arith.constant 0 : i32
    %dma_wait3A_139 = tpu.memref_slice %arg5[%dma_wait3A_137, %dma_wait3A_138] : memref<128x128xf32, #tpu.memory_space<vmem>> -> memref<16x128xf32, #tpu.memory_space<vmem>>
    %dma_wait3A_140 = arith.constant 0 : i32
    %dma_wait3A_141 = tpu.memref_slice %arg11[%dma_wait3A_136, %dma_wait3A_140] : memref<2x16xi32, #tpu.memory_space<vmem>> -> memref<1x16xi32, #tpu.memory_space<vmem>>
    %dma_wait3A_142 = tpu.memref_squeeze %dma_wait3A_141 : memref<1x16xi32, #tpu.memory_space<vmem>> -> memref<16xi32, #tpu.memory_space<vmem>>
    %dma_wait3A_143 = arith.constant 0 : i32
    %dma_wait3A_144 = arith.constant 0 : i32
    %dma_wait3A_145 = tpu.memref_slice %arg12[%dma_wait3A_143, %dma_wait3A_144] : memref<10112x128xf32, #tpu.memory_space<vmem_shared>> -> memref<10112x128xf32, #tpu.memory_space<vmem_shared>>
    tpu.wait_indirect_dma semaphore(%arg16 : memref<!tpu.dma_semaphore, #tpu.memory_space<semaphore_mem>>) src(%dma_wait3A_139 : memref<16x128xf32, #tpu.memory_space<vmem>>) dst(%dma_wait3A_145 : memref<10112x128xf32, #tpu.memory_space<vmem_shared>>)
    %dma_wait3A_146 = arith.constant 1 : i32
    %dma_wait3A_147 = arith.constant 0 : i32
    %dma_wait3A_148 = tpu.memref_slice %arg9[%dma_wait3A_146, %dma_wait3A_147] : memref<2x128xi32, #tpu.memory_space<vmem>> -> memref<1x128xi32, #tpu.memory_space<vmem>>
    %dma_wait3A_149 = tpu.memref_squeeze %dma_wait3A_148 : memref<1x128xi32, #tpu.memory_space<vmem>> -> memref<128xi32, #tpu.memory_space<vmem>>
    %dma_wait3A_150 = arith.constant 0 : i32
    %dma_wait3A_151 = arith.constant 0 : i32
    %dma_wait3A_152 = tpu.memref_slice %arg12[%dma_wait3A_150, %dma_wait3A_151] : memref<10112x128xf32, #tpu.memory_space<vmem_shared>> -> memref<10112x128xf32, #tpu.memory_space<vmem_shared>>
    tpu.wait_indirect_dma semaphore(%arg17 : memref<!tpu.dma_semaphore, #tpu.memory_space<semaphore_mem>>) src(%arg6 : memref<128x128xf32, #tpu.memory_space<vmem>>) dst(%dma_wait3A_152 : memref<10112x128xf32, #tpu.memory_space<vmem_shared>>)
    %dma_wait3A_153 = arith.constant 1 : i32
    %dma_wait3A_154 = arith.constant 0 : i32
    %dma_wait3A_155 = tpu.memref_slice %arg10[%dma_wait3A_153, %dma_wait3A_154] : memref<2x128xi32, #tpu.memory_space<vmem>> -> memref<1x128xi32, #tpu.memory_space<vmem>>
    %dma_wait3A_156 = tpu.memref_squeeze %dma_wait3A_155 : memref<1x128xi32, #tpu.memory_space<vmem>> -> memref<128xi32, #tpu.memory_space<vmem>>
    %dma_wait3A_157 = arith.constant 0 : i32
    %dma_wait3A_158 = arith.constant 0 : i32
    %dma_wait3A_159 = tpu.memref_slice %arg12[%dma_wait3A_157, %dma_wait3A_158] : memref<10112x128xf32, #tpu.memory_space<vmem_shared>> -> memref<10112x128xf32, #tpu.memory_space<vmem_shared>>
    tpu.wait_indirect_dma semaphore(%arg18 : memref<!tpu.dma_semaphore, #tpu.memory_space<semaphore_mem>>) src(%arg7 : memref<128x128xf32, #tpu.memory_space<vmem>>) dst(%dma_wait3A_159 : memref<10112x128xf32, #tpu.memory_space<vmem_shared>>)
    %barrier3A_160 = arith.constant 0 : index
    tpu.barrier barrier_id(%barrier3A_160)
    %mul3A_161 = arith.constant 632 : i32
    %mul3A_162 = arith.muli %arg1, %mul3A_161 : i32
    "tpu.region"() ({
      %run_scoped3A = tpu.sem_alloc : memref<!tpu.dma_semaphore, #tpu.memory_space<semaphore_mem>>
      %dma_start3A_163 = arith.constant 0 : i32
      %dma_start3A_164 = arith.constant 0 : i32
      %dma_start3A_165 = tpu.memref_slice %arg4[%arg0, %arg1, %dma_start3A_163, %dma_start3A_164] : memref<2x16x632x128xf32, #tpu.memory_space<hbm>> -> memref<1x1x632x128xf32, #tpu.memory_space<hbm>>
      %dma_start3A_166 = tpu.memref_squeeze %dma_start3A_165 : memref<1x1x632x128xf32, #tpu.memory_space<hbm>> -> memref<632x128xf32, #tpu.memory_space<hbm>>
      %dma_start3A_167 = arith.constant 0 : i32
      %dma_start3A_168 = tpu.memref_slice %arg12[%mul3A_162, %dma_start3A_167] : memref<10112x128xf32, #tpu.memory_space<vmem_shared>> -> memref<632x128xf32, #tpu.memory_space<vmem_shared>>
      tpu.enqueue_dma source(%dma_start3A_168 : memref<632x128xf32, #tpu.memory_space<vmem_shared>>) target(%dma_start3A_166 : memref<632x128xf32, #tpu.memory_space<hbm>>) target_semaphore(%run_scoped3A : memref<!tpu.dma_semaphore, #tpu.memory_space<semaphore_mem>>)
      %dma_wait3A_169 = arith.constant 0 : i32
      %dma_wait3A_170 = arith.constant 0 : i32
      %dma_wait3A_171 = tpu.memref_slice %arg4[%arg0, %arg1, %dma_wait3A_169, %dma_wait3A_170] : memref<2x16x632x128xf32, #tpu.memory_space<hbm>> -> memref<1x1x632x128xf32, #tpu.memory_space<hbm>>
      %dma_wait3A_172 = tpu.memref_squeeze %dma_wait3A_171 : memref<1x1x632x128xf32, #tpu.memory_space<hbm>> -> memref<632x128xf32, #tpu.memory_space<hbm>>
      %dma_wait3A_173 = arith.constant 0 : i32
      %dma_wait3A_174 = tpu.memref_slice %arg12[%mul3A_162, %dma_wait3A_173] : memref<10112x128xf32, #tpu.memory_space<vmem_shared>> -> memref<632x128xf32, #tpu.memory_space<vmem_shared>>
      tpu.wait_dma2 semaphore(%run_scoped3A : memref<!tpu.dma_semaphore, #tpu.memory_space<semaphore_mem>>) src(%dma_wait3A_174 : memref<632x128xf32, #tpu.memory_space<vmem_shared>>) dst(%dma_wait3A_172 : memref<632x128xf32, #tpu.memory_space<hbm>>)
      tpu.yield
    }) : () -> ()
    return
  }
}

module attributes {stable_mosaic.version = 14 : i64} {
  func.func @body(%arg0: memref<2x10112x128xf32, #tpu.memory_space<vmem>>, %arg1: memref<10000x128xf32, #tpu.memory_space<vmem>>) attributes {dimension_semantics = [], scalar_prefetch = 0 : i64, scratch_operands = 0 : i64, tpu.core_type = #tpu.core_type<tc>} {
    %get3A = arith.constant 0 : index
    %get3A_0 = arith.constant 0 : index
    %get3A_1 = arith.constant 0 : index
    %get3A_2 = vector.load %arg0[%get3A, %get3A_0, %get3A_1] : memref<2x10112x128xf32, #tpu.memory_space<vmem>>, vector<1x10000x128xf32>
    %get3A_3 = vector.shape_cast %get3A_2 : vector<1x10000x128xf32> to vector<10000x128xf32>
    %get3A_4 = arith.constant 1 : index
    %get3A_5 = arith.constant 0 : index
    %get3A_6 = arith.constant 0 : index
    %get3A_7 = vector.load %arg0[%get3A_4, %get3A_5, %get3A_6] : memref<2x10112x128xf32, #tpu.memory_space<vmem>>, vector<1x10000x128xf32>
    %get3A_8 = vector.shape_cast %get3A_7 : vector<1x10000x128xf32> to vector<10000x128xf32>
    %add3A = arith.addf %get3A_3, %get3A_8 : vector<10000x128xf32>
    %swap3A = arith.constant 0 : index
    %swap3A_9 = arith.constant 0 : index
    %swap3A_10 = vector.load %arg1[%swap3A, %swap3A_9] : memref<10000x128xf32, #tpu.memory_space<vmem>>, vector<10000x128xf32>
    tpu.vector_store %arg1[%swap3A, %swap3A_9], %add3A {strides = array<i32>} : memref<10000x128xf32, #tpu.memory_space<vmem>>, vector<10000x128xf32>,
    return
  }
}

</mosaic_0001>

<sc_bundles>
// kernel: kernel.4.cloned.1.call-start
scs
__scs_entry_jumppad:
0x0: {  	(pc) =	sbr.rel $0x88, $3  }
0x1: {  	(tag) =	ssettag $0x0;
	lr =	simm.s32 $0x1  }
0x2: {  	[smem:$0x3F9F] =	sst lr;
	_ =	strace $0xD0000000  }
0x3: {  	_ = 	snop  }
0x4: {  	_ = 	snop  }
0x5: {  	_ = 	snop  }
0x6: {  	_ = 	snop  }
0x7: {  	_ = 	snop  }
__scs_overlays_trampoline_lowered:
0x8: {  	[smem:$0x3FAE] =	sst s0  }
0x9: {  	[smem:$0x3FAF] =	sst s1  }
0xa: {  	[smem:$0x3FB0] =	sst s2  }
0xb: {  	[smem:$0x3FB1] =	sst s3  }
0xc: {  	[smem:$0x3FB2] =	sst s4  }
0xd: {  	[smem:$0x3FB3] =	sst s5  }
0xe: {  	[smem:$0x3FB4] =	sst s6  }
0xf: {  	[smem:$0x3FB5] =	sst s7  }
0x10: {  	[smem:$0x3FB6] =	sst s8  }
0x11: {  	[smem:$0x3FB7] =	sst s9;
	s0 =	simm.s32 @!p0 $0x0  }
0x12: {  	s1 =	sld [smem:$0x3F9D];
	s0 =	simm.s32 @p0 $0x1  }
0x13: {  	[smem:$0x3FB8] =	sst s0;
	s0 =	simm.s32 @!p1 $0x0  }
0x14: {  	s2 =	sld [smem:$0x3F9C];
	s0 =	simm.s32 @p1 $0x1  }
0x15: {  	[smem:$0x3FB9] =	sst s0;
	s0 =	simm.s32 @!p2 $0x0  }
0x16: {  	s3 =	sld [smem:$0x3FDB];
	s0 =	simm.s32 @p2 $0x1  }
0x17: {  	s4 =	simm.s32 $0x1BF5;
	[smem:$0x3FBB] =	sst s0  }
0x18: {  	s0 =	sld [smem:$0x3F9E];
	_ =	swait.ge [sflag:s4], $0x0  }
0x19: {  	s7 =	sld [smem:$0x3F9F]  }
0x1a: {  	s8 =	sadd.s32 $0xFFFFE003, lr  }
0x1b: {  	s9 =	sadd.s32 $0xFFFFFEF7, lr;
	s5 =	simm.s32 $0xFFFFFFFF;
	p2 =	slt.u32 s8, $0xFFFFF086  }
0x1c: {  	p1 =	slt.u32 s9, $0xF7A;
	s5 =	simm.s32 @!p2 $0x0  }
0x1d: {  	s5 =	simm.s32 @p1 $0x1;
	p0 =	seq.s32 s7, s2  }
0x1e: {  	s7 =	smul.u32 @!p0 $0xF7A, s2;
	p2 =	seq.s32 @!p0 s5, $0x0  }
0x1f: {  	s9 =	smul.u32 $0xF7A, s1;
	s8 =	simm.s32 @!p0 $0x1BF5;
	p2 =	por !p2, p0  }
0x20: {  	[sflag:s8] =	ssyncset.s32 @!p0 $0xFFFFF086;
	s6 =	sadd.s32 @!p0 s3, s7;
	s7 =	simm.s32 @!p0 $0x108  }
0x21: {  	s3 =	sadd.s32 s3, s9;
	s6 =	sadd.s32 @!p0 $0x88, s6;
	s7 =	simm.s32 @p2 $0x1082  }
0x22: {  	[simem:s7], [sflag:s8] =	dma.local @!p0 [hbm:s6], $0xF7A  }
0x23: {  	s9 =	sor.u32 $0xD0000000, s2;
	s6 =	simm.s32 $0x108;
	_ =	swait.ge @!p0 [sflag:s8], $0x0  }
0x24: {  	s3 =	sadd.s32 $0x88, s3;
	s6 =	simm.s32 @!p1 $0x1082;
	[sflag:s4] =	ssyncset.s32 $0xFFFFF086  }
0x25: {  	[simem:s6], [sflag:s4] =	dma.local [hbm:s3], $0xF7A  }
0x26: {  	[smem:$0x3F9F] =	sst s1;
	(tag) =	ssettag s2;
	_ =	strace s9  }
0x27: {  	s1 =	sld [smem:$0x3FAF]  }
0x28: {  	s2 =	sld [smem:$0x3FB0]  }
0x29: {  	s4 =	sld [smem:$0x3FB2]  }
0x2a: {  	p0 =	seq.s32 s5, $0x0;
	s5 =	sld [smem:$0x3FB3]  }
0x2b: {  	s6 =	sld [smem:$0x3FB4]  }
0x2c: {  	s7 =	sld [smem:$0x3FB5]  }
0x2d: {  	s3 =	simm.s32 $0x108;
	s8 =	sld [smem:$0x3FB6]  }
0x2e: {  	s3 =	simm.s32 @!p0 $0x1082;
	s9 =	sld [smem:$0x3FB7]  }
0x2f: {  	lr =	sadd.s32 s0, s3;
	s0 =	sld [smem:$0x3FAE]  }
0x30: {  	s3 =	sld [smem:$0x3FB1]  }
0x31: {  	[smem:$0x3FBA] =	sst s10  }
0x32: {  	s10 =	sld [smem:$0x3FB8];
	_ =	sdelay $0x3  }
0x33: {  	p0 =	seq.s32 s10, $0x1;
	s10 =	sld [smem:$0x3FBA];
	_ =	sdelay $0x3  }
0x34: {  	[smem:$0x3FBA] =	sst s10  }
0x35: {  	s10 =	sld [smem:$0x3FB9];
	_ =	sdelay $0x3  }
0x36: {  	p1 =	seq.s32 s10, $0x1;
	s10 =	sld [smem:$0x3FBA];
	_ =	sdelay $0x3  }
0x37: {  	[smem:$0x3FBA] =	sst s10  }
0x38: {  	s10 =	sld [smem:$0x3FBB]  }
0x39: {  	_ = 	snop;
	(pc) =	sbr.ind lr, $3  }
0x3a: {  	_ = 	snop  }
0x3b: {  	_ = 	snop  }
0x3c: {  	p2 =	seq.s32 s10, $0x1;
	s10 =	sld [smem:$0x3FBA]  }
0x3d: {  	_ =	shalt  }
0x3e: {  	_ =	shalt  }
0x3f: {  	_ =	shalt  }
0x40: {  	_ =	shalt  }
0x41: {  	_ =	shalt  }
0x42: {  	_ =	shalt  }
0x43: {  	_ =	shalt  }
0x44: {  	_ =	shalt  }
0x45: {  	_ =	shalt  }
0x46: {  	_ =	shalt  }
0x47: {  	_ =	shalt  }
0x48: {  	_ =	shalt  }
0x49: {  	_ =	shalt  }
0x4a: {  	_ =	shalt  }
0x4b: {  	_ =	shalt  }
0x4c: {  	_ =	shalt  }
0x4d: {  	_ =	shalt  }
0x4e: {  	_ =	shalt  }
0x4f: {  	_ =	shalt  }
0x50: {  	_ =	shalt  }
0x51: {  	_ =	shalt  }
0x52: {  	_ =	shalt  }
0x53: {  	_ =	shalt  }
0x54: {  	_ =	shalt  }
0x55: {  	_ =	shalt  }
0x56: {  	_ =	shalt  }
0x57: {  	_ =	shalt  }
0x58: {  	_ =	shalt  }
0x59: {  	_ =	shalt  }
0x5a: {  	_ =	shalt  }
0x5b: {  	_ =	shalt  }
0x5c: {  	_ =	shalt  }
0x5d: {  	_ =	shalt  }
0x5e: {  	_ =	shalt  }
0x5f: {  	_ =	shalt  }
0x60: {  	_ =	shalt  }
0x61: {  	_ =	shalt  }
0x62: {  	_ =	shalt  }
0x63: {  	_ =	shalt  }
0x64: {  	_ =	shalt  }
0x65: {  	_ =	shalt  }
0x66: {  	_ =	shalt  }
0x67: {  	_ =	shalt  }
0x68: {  	_ =	shalt  }
0x69: {  	_ =	shalt  }
0x6a: {  	_ =	shalt  }
0x6b: {  	_ =	shalt  }
0x6c: {  	_ =	shalt  }
0x6d: {  	_ =	shalt  }
0x6e: {  	_ =	shalt  }
0x6f: {  	_ =	shalt  }
0x70: {  	_ =	shalt  }
0x71: {  	_ =	shalt  }
0x72: {  	_ =	shalt  }
0x73: {  	_ =	shalt  }
0x74: {  	_ =	shalt  }
0x75: {  	_ =	shalt  }
0x76: {  	_ =	shalt  }
0x77: {  	_ =	shalt  }
0x78: {  	_ =	shalt  }
0x79: {  	_ =	shalt  }
0x7a: {  	_ =	shalt  }
0x7b: {  	_ =	shalt  }
0x7c: {  	_ =	shalt  }
0x7d: {  	_ =	shalt  }
0x7e: {  	_ =	shalt  }
0x7f: {  	_ =	shalt  }
0x80: {  	_ =	shalt  }
0x81: {  	_ =	shalt  }
0x82: {  	_ =	shalt  }
0x83: {  	_ =	shalt  }
0x84: {  	_ =	shalt  }
0x85: {  	_ =	shalt  }
0x86: {  	_ =	shalt  }
0x87: {  	_ =	shalt  }
.Lfunc_end0:
.L_simem_size_0:
called_computation_lowered:
.L_overlay_start_0:
0x88: {  	s2 =	sld [smem:$0x3FD9]  }
0x89: {  	s3 =	sld [smem:$0x3FFE];
	_ =	sdelay $0x1  }
0x8a: {  	s1 =	srdreg.scid  }
0x8b: {  	s0 =	sand.u32 $0x1, s1  }
0x8c: {  	s17 =	sshll.u32 s0, $0xA;
	s2 =	sadd.s32 s3, s2  }
0x8d: {  	s2 =	sadd.s32 s2, s17  }
0x8e: {  	[smem:$0x3FC6] =	sst s2  }
0x8f: {  	_ = 	snop  }
0x90: {  	s2 =	sld [smem:$0x3FC9]  }
0x91: {  	s18 =	sld [smem:$0x3FD0];
	(tm) =	ssettm $0x1  }
0x92: {  	s4 =	sld [smem:$0x3FFB];
	_ =	sdelay $0x3  }
0x93: {  	_ =	strace s4  }
0x94: {  	s4 =	sld [smem:$0x3FFC];
	_ =	sdelay $0x3  }
0x95: {  	_ =	strace s4  }
0x96: {  	s4 =	sld [smem:$0x3FFD];
	_ =	sdelay $0x3  }
0x97: {  	_ =	strace s4  }
0x98: {  	_ =	strace $0x8FFFFFFF  }
0x99: {  	s19 =	sld [smem:$0x3FDB];
	_ =	sdelay $0x1  }
0x9a: {  	s5 =	simm.s32 $_scs_section_size  }
0x9b: {  	s6 =	simm.s32 $_size__tile_overlayer_lowered;
	s7 =	simm.s32 $_tile_overlayer_lowered  }
0x9c: {  	s22 =	simm.s32 $0x1BFF;
	s21 =	sshll.u32 s7, $0x1;
	s4 =	sadd.s32 s5, s19  }
0x9d: {  	s8 =	simm.s32 $0x0;
	s20 =	sshll.u32 s6, $0x1;
	s6 =	sadd.s32 s21, s4  }
0x9e: {  	[timem:s8], [sflag:s22] =	dma.local [hbm:s6], s20  }
0x9f: {  	_ =	swait.ge [sflag:s22], s20  }
0xa0: {  	s5 =	ssub.s32 $0x0, s20;
	[sflag:s22] =	ssyncset.done $0x0  }
0xa1: {  	[sflag:s22] =	ssyncadd.s32 s5;
	_ =	sdelay $0x1  }
0xa2: {  	s23 =	simm.s32 $0x1B8B  }
0xa3: {  	_ =	swait.ge [sflag:s23], $0x1  }
0xa4: {  	[sflag:s23] =	ssyncset.done $0x0  }
0xa5: {  	s25 =	simm.s32 $0x1B8E;
	s24 =	sld [smem:$0x3FFE];
	[sflag:s23] =	ssyncadd.s32 $0xFFFFFFFF  }
0xa6: {  	s26 =	simm.s32 $execute0_lowered;
	[smem:$0x3FD2] =	sst s25  }
0xa7: {  	s6 =	sshll.u32 s26, $0x1;
	_ =	strace $0x80000046;
	[dreg:$0x1] =	wrdreg $0xFFFFFFFF  }
0xa8: {  	s28 =	simm.s32 $_size_execute0_lowered;
	s4 =	sadd.s32 s4, s6;
	[dreg:$0x0] =	wrdreg $0x0  }
0xa9: {  	s6 =	sshll.u32 s28, $0x1;
	[dreg:$0x2] =	wrdreg s4  }
0xaa: {  	[dreg:$0x3] =	wrdreg s6  }
0xab: {  	[dreg:$0x4] =	wrdreg $0xC0  }
0xac: {  	_ =	task [dreg:s8], $0x5FFFF  }
0xad: {  	[dreg:$0x1] =	wrdreg $0xFFFFFFFF  }
0xae: {  	[dreg:$0x0] =	wrdreg $0x60  }
0xaf: {  	[dreg:$0x2] =	wrdreg s2  }
0xb0: {  	[dreg:$0x3] =	wrdreg s18  }
0xb1: {  	[dreg:$0x4] =	wrdreg s24  }
0xb2: {  	[dreg:$0x5] =	wrdreg $0xC4000  }
0xb3: {  	[dreg:$0x6] =	wrdreg $0x9  }
0xb4: {  	_ =	task.clear_ibuf [dreg:s8], $0x7FFFF;
	_ =	strace $0x90000046  }
0xb5: {  	s29 =	simm.s32 $0x9;
	_ =	strace $0x80000048  }
0xb6: {  	_ =	swait.ge [sflag:s29], $0x1  }
0xb7: {  	[sflag:s29] =	ssyncadd.s32 $0xFFFFFFFF  }
0xb8: {  	_ =	strace $0x90000048  }
0xb9: {  	_ =	sfence  }
0xba: {  	s30 =	sld [smem:$0x0];
	_ =	sdelay $0x2  }
0xbb: {  	s31 =	sshll.u32 s1, $0xD;
	s1 =	sshrl.u32 s1, $0x2  }
0xbc: {  	s3 =	sand.u32 $0x4000, s31;
	s1 =	sadd.s32 s1, s30  }
0xbd: {  	s0 =	sor.u32 s3, s0;
	s1 =	sshll.u32 s1, $0x11  }
0xbe: {  	s0 =	sor.u32 s1, s0  }
0xbf: {  	s0 =	sadd.s32 $0x8F2B, s0  }
0xc0: {  	[sflag:s0] =	ssyncadd.remote.s32 $0x1  }
0xc1: {  	_ =	sfence.sel $0xFFFF  }
0xc2: {  	[dreg:$0x0] =	wrdreg $0xFFFFFFFF;
	(pc) =	sbr.abs _section_cstart, $3  }
0xc3: {  	[dreg:$0x1] =	wrdreg $0xFFFFFFFF  }
0xc4: {  	_ =	task.clear_ibuf [dreg:s8], $0x2FFFF;
	_ =	strace $0x9FFFFFFF  }
0xc5: {  	(tm) =	ssettm $0x7FFFFFFF  }
tec
execute0_lowered:
.L_overlay_start_1:
0x0: {  	(tag) =	ssettag $0x1  }
0x1: {  	s0 =	rddreg [dreg:$0x0]  }
0x2: {  	s1 =	rddreg [dreg:$0x1];
	s2 =	srdreg.scid  }
0x3: {  	s6 =	rddreg [dreg:$0x2];
	s11 =	stileid.u32  }
0x4: {  	s3 =	rddreg [dreg:$0x3];
	s4 =	simm.s32 $0x0;
	s7 =	smul.u32 $0x13C00, s11  }
0x5: {  	s28 =	simm.s32 $0x1;
	s29 =	simm.s32 $0xC080;
	s26 =	smul.u32 $0x4F000, s11  }
0x6: {  	s30 =	simm.s32 $0xC200;
	s2 =	sand.u32 $0x1, s2;
	s20 =	smul.u32 $0x4F00, s11  }
0x7: {  	s31 =	simm.s32 $0x8000;
	[smem:$0x7FF] =	sst s4;
	s5 =	smul.u32 $0x13C000, s2  }
0x8: {  	_ =	strace $0x80000047;
	s10 =	sshll.u32 s2, $0x4;
	s9 =	ssub.s32 $0x2, s2  }
0x9: {  	s2 =	smul.u32 $0x4F000, s2;
	s10 =	sor.u32 s11, s10;
	s12 =	sshrl.u32 s26, $0x2  }
0xa: {  	s13 =	sshrl.u32 s9, $0x1;
	s11 =	simm.s32 $0x6;
	s5 =	sadd.s32 s7, s5  }
0xb: {  	s10 =	smul.u32 $0x4F00, s10;
	s7 =	ssub.s32 s9, s13;
	s2 =	sadd.s32 s20, s2  }
0xc: {  	s9 =	simm.s32 $0x5;
	s13 =	simm.s32 $0x10;
	s8 =	sshrl.u32 s5, $0x3  }
0xd: {  	s5 =	sadd.s32 s12, s3;
	s22 =	smax.u32 s7, $0x1;
	s25 =	sadd.s32 $0x700, s2  }
0xe: {  	s26 =	sadd.s32 $0x600, s2;
	s2 =	sadd.s32 $0x500, s2;
	s12 =	simm.s32 $0xC300  }
0xf: {  	s6 =	sadd.s32 s8, s6;
	s14 =	sadd.s32 $0x4000, s5;
	[dreg:$0xd] =	wrdreg s22  }
0x10: {  	s15 =	sadd.s32 $0x8000, s5;
	s16 =	sadd.s32 $0xC000, s5;
	[dreg:$0x5] =	wrdreg s14  }
0x11: {  	s17 =	sshrl.u32 s10, $0x3;
	s18 =	sadd.s32 $0x10000, s5;
	[dreg:$0x6] =	wrdreg s15  }
0x12: {  	s7 =	sshrl.u32 s26, $0x3;
	s2 =	sshrl.u32 s2, $0x3;
	[dreg:$0x7] =	wrdreg s16  }
0x13: {  	s22 =	simm.s32 $0x7;
	s26 =	simm.s32 $0x4000;
	[dreg:$0x8] =	wrdreg s18  }
0x14: {  	s10 =	sadd.s32 s1, s17;
	s6 =	sadd.s32 $0x600, s6;
	s20 =	sadd.s32 s7, s1  }
0x15: {  	s7 =	simm.s32 $0x3;
	s8 =	sadd.s32 $0x20, s10;
	[dreg:$0xc] =	wrdreg s6  }
0x16: {  	s14 =	simm.s32 $0x0;
	s19 =	sadd.s32 $0x9A0, s10;
	[dreg:$0x9] =	wrdreg s8  }
0x17: {  	s21 =	sadd.s32 $0x9C0, s10;
	s23 =	sadd.s32 $0x40, s10;
	[dreg:$0xa] =	wrdreg s19  }
0x18: {  	s24 =	sadd.s32 $0x60, s10;
	s18 =	sadd.s32 $0x80, s10;
	[dreg:$0xb] =	wrdreg s21  }
0x19: {  	s6 =	sshrl.u32 s25, $0x3;
	s25 =	simm.s32 $0xC100;
	[dreg:$0xe] =	wrdreg s23  }
0x1a: {  	[dreg:$0xf] =	wrdreg s24;
	s19 =	sadd.s32 s6, s1;
	s21 =	sadd.s32 s2, s1  }
0x1b: {  	s23 =	simm.s32 $0xC000;
	s24 =	simm.s32 $0x80;
	s2 =	simm.s32 $0x2  }
0x1c: {  	v0 =	vimm.f32 $0.0e+00;
	s1 =	simm.s32 $0xC180;
	s6 =	simm.s32 $0x4;
	s8 =	simm.s32 $0xC280  }
.LBB2_1:
0x1d: {  	s15 =	simm.s32 $0x0;
	s16 =	simm.s32 $0x200  }
.LBB2_2:
0x1e: {  	p0 =	sne.s32 s16, $0xFE00;
	[tilespmem:s15+$0x70] =	vst v0  }
0x1f: {  	[tilespmem:s15+$0x0] =	vst v0  }
0x20: {  	[tilespmem:s15+$0x10] =	vst v0  }
.Ltmp0:
0x21: {  	[tilespmem:s15+$0x20] =	vst v0;
	(pc) =	sbr.rel @p0 .LBB2_2-.Ltmp0, $4  }
0x22: {  	[tilespmem:s15+$0x30] =	vst v0  }
0x23: {  	[tilespmem:s15+$0x40] =	vst v0  }
0x24: {  	[tilespmem:s15+$0x50] =	vst v0  }
0x25: {  	[tilespmem:s15+$0x60] =	vst v0;
	s15 =	sshra.s32 s16, $0x2;
	s16 =	sadd.s32 $0x200, s16  }
0x26: {  	[tilespmem:s15+$0x70] =	vst v0  }
0x27: {  	[tilespmem:s15+$0x0] =	vst v0  }
0x28: {  	[tilespmem:s15+$0x10] =	vst v0  }
0x29: {  	[tilespmem:s15+$0x20] =	vst v0  }
0x2a: {  	[tilespmem:s15+$0x30] =	vst v0  }
0x2b: {  	[tilespmem:s15+$0x40] =	vst v0  }
0x2c: {  	[tilespmem:s15+$0x50] =	vst v0  }
0x2d: {  	[tilespmem:s15+$0x60] =	vst v0;
	s15 =	simm.s32 $0x0  }
0x2e: {  	[spmem:s5] =	stream.linear.scatter [tilespmem:s15], [sflag:$0x7], $0x4000, $0x38;
	v63 =	vld [tilespmem:$0x0]  }
0x2f: {  	_ =	swait.ge [sflag:s22], $0x4000  }
0x30: {  	[sflag:s22] =	ssyncset.done $0x0  }
0x31: {  	s16 =	rddreg [dreg:$0x5];
	[sflag:s22] =	ssyncadd.s32 $0xFFFFC000  }
0x32: {  	[spmem:s16] =	stream.linear.scatter [tilespmem:s15], [sflag:$0x7], $0x4000, $0x38;
	v63 =	vld [tilespmem:$0x0]  }
0x33: {  	_ =	swait.ge [sflag:s22], $0x4000  }
0x34: {  	[sflag:s22] =	ssyncset.done $0x0  }
0x35: {  	s17 =	rddreg [dreg:$0x6];
	[sflag:s22] =	ssyncadd.s32 $0xFFFFC000  }
0x36: {  	[spmem:s17] =	stream.linear.scatter [tilespmem:s15], [sflag:$0x7], $0x4000, $0x38;
	v63 =	vld [tilespmem:$0x0]  }
0x37: {  	_ =	swait.ge [sflag:s22], $0x4000  }
0x38: {  	[sflag:s22] =	ssyncset.done $0x0  }
0x39: {  	s17 =	rddreg [dreg:$0x7];
	[sflag:s22] =	ssyncadd.s32 $0xFFFFC000  }
0x3a: {  	[spmem:s17] =	stream.linear.scatter [tilespmem:s15], [sflag:$0x7], $0x4000, $0x38;
	v63 =	vld [tilespmem:$0x0]  }
0x3b: {  	_ =	swait.ge [sflag:s22], $0x4000  }
0x3c: {  	[sflag:s22] =	ssyncset.done $0x0  }
0x3d: {  	s17 =	rddreg [dreg:$0x8];
	[sflag:s22] =	ssyncadd.s32 $0xFFFFC000  }
0x3e: {  	[spmem:s17] =	stream.linear.scatter [tilespmem:s15], [sflag:$0x7], $0x3C00, $0x38;
	v63 =	vld [tilespmem:$0x0]  }
0x3f: {  	_ =	swait.ge [sflag:s22], $0x3C00  }
0x40: {  	[sflag:s22] =	ssyncset.done $0x0  }
0x41: {  	[sflag:s22] =	ssyncadd.s32 $0xFFFFC400  }
0x42: {  	[bflag:$0x0] =	sbarrier.arrive $0xFFFF  }
0x43: {  	[tilespmem:s23], [sflag:$0x7] =	stream.linear.gather [hbm4b:s10+s15], $0x100, $0x38;
	v63 =	vld [tilespmem:$0x0]  }
0x44: {  	_ =	swait.ge [sflag:s22], $0x100  }
0x45: {  	[sflag:s22] =	ssyncset.done $0x0  }
0x46: {  	[sflag:s22] =	ssyncadd.s32 $0xFFFFFF00  }
0x47: {  	[tilespmem:s15], [sflag:$0x1] =	stream.indirect.gather [hbm4b:s0+s24], $0x80, s23, s24, $0xb8;
	v63 =	vld [tilespmem:$0x0]  }
0x48: {  	s17 =	rddreg [dreg:$0x9]  }
0x49: {  	[tilespmem:s25], [sflag:$0x7] =	stream.linear.gather [hbm4b:s17+s15], $0x100, $0x38;
	v63 =	vld [tilespmem:$0x0]  }
0x4a: {  	_ =	swait.ge [sflag:s22], $0x100  }
0x4b: {  	[sflag:s22] =	ssyncset.done $0x0  }
0x4c: {  	[sflag:s22] =	ssyncadd.s32 $0xFFFFFF00  }
0x4d: {  	[tilespmem:s26], [sflag:$0x2] =	stream.indirect.gather [hbm4b:s0+s24], $0x80, s25, s24, $0xb8;
	v63 =	vld [tilespmem:$0x0]  }
0x4e: {  	_ =	swait.ge [sflag:s28], $0x4000  }
0x4f: {  	[sflag:s28] =	ssyncset.done $0x0  }
0x50: {  	[sflag:s28] =	ssyncadd.s32 $0xFFFFC000  }
0x51: {  	[spmem:s3] =	stream.indirect.scatter.add.f32 [tilespmem:s15], [sflag:$0x4], $0x80, s29, s24, $0xb8;
	v63 =	vld [tilespmem:$0x0]  }
0x52: {  	s17 =	rddreg [dreg:$0xe]  }
0x53: {  	[tilespmem:s30], [sflag:$0x7] =	stream.linear.gather [hbm4b:s17+s15], $0x100, $0x38;
	v63 =	vld [tilespmem:$0x0]  }
0x54: {  	_ =	swait.ge [sflag:s22], $0x100  }
0x55: {  	[sflag:s22] =	ssyncset.done $0x0  }
0x56: {  	[sflag:s22] =	ssyncadd.s32 $0xFFFFFF00  }
0x57: {  	[tilespmem:s31], [sflag:$0x3] =	stream.indirect.gather [hbm4b:s0+s24], $0x80, s30, s24, $0xb8;
	v63 =	vld [tilespmem:$0x0]  }
0x58: {  	_ =	swait.ge [sflag:s2], $0x4000  }
0x59: {  	[sflag:s2] =	ssyncset.done $0x0  }
0x5a: {  	[sflag:s2] =	ssyncadd.s32 $0xFFFFC000  }
0x5b: {  	[spmem:s3] =	stream.indirect.scatter.add.f32 [tilespmem:s26], [sflag:$0x5], $0x80, s1, s24, $0xb8;
	v63 =	vld [tilespmem:$0x0]  }
0x5c: {  	_ =	swait.ge [sflag:s6], $0x4000  }
0x5d: {  	[sflag:s6] =	ssyncset.done $0x0  }
0x5e: {  	s17 =	rddreg [dreg:$0xf];
	[sflag:s6] =	ssyncadd.s32 $0xFFFFC000  }
0x5f: {  	[tilespmem:s23], [sflag:$0x7] =	stream.linear.gather [hbm4b:s17+s15], $0x100, $0x38;
	v63 =	vld [tilespmem:$0x0]  }
0x60: {  	_ =	swait.ge [sflag:s22], $0x100  }
0x61: {  	[sflag:s22] =	ssyncset.done $0x0  }
0x62: {  	[sflag:s22] =	ssyncadd.s32 $0xFFFFFF00  }
0x63: {  	[tilespmem:s15], [sflag:$0x1] =	stream.indirect.gather [hbm4b:s0+s24], $0x80, s23, s24, $0xb8;
	v63 =	vld [tilespmem:$0x0]  }
0x64: {  	_ =	swait.ge [sflag:s7], $0x4000  }
0x65: {  	[sflag:s7] =	ssyncset.done $0x0  }
0x66: {  	[sflag:s7] =	ssyncadd.s32 $0xFFFFC000  }
0x67: {  	[spmem:s3] =	stream.indirect.scatter.add.f32 [tilespmem:s31], [sflag:$0x6], $0x80, s8, s24, $0xb8;
	v63 =	vld [tilespmem:$0x0]  }
0x68: {  	_ =	swait.ge [sflag:s9], $0x4000  }
0x69: {  	[sflag:s9] =	ssyncset.done $0x0  }
0x6a: {  	[sflag:s9] =	ssyncadd.s32 $0xFFFFC000  }
0x6b: {  	[tilespmem:s25], [sflag:$0x7] =	stream.linear.gather [hbm4b:s18+s15], $0x100, $0x38;
	v63 =	vld [tilespmem:$0x0]  }
0x6c: {  	_ =	swait.ge [sflag:s22], $0x100  }
0x6d: {  	[sflag:s22] =	ssyncset.done $0x0  }
0x6e: {  	[sflag:s22] =	ssyncadd.s32 $0xFFFFFF00  }
0x6f: {  	[tilespmem:s26], [sflag:$0x2] =	stream.indirect.gather [hbm4b:s0+s24], $0x80, s25, s24, $0xb8;
	v63 =	vld [tilespmem:$0x0]  }
0x70: {  	_ =	swait.ge [sflag:s28], $0x4000  }
0x71: {  	[sflag:s28] =	ssyncset.done $0x0  }
0x72: {  	[sflag:s28] =	ssyncadd.s32 $0xFFFFC000  }
0x73: {  	[spmem:s3] =	stream.indirect.scatter.add.f32 [tilespmem:s4], [sflag:$0x4], $0x80, s29, s24, $0xb8;
	v63 =	vld [tilespmem:$0x0]  }
0x74: {  	_ =	swait.ge [sflag:s11], $0x4000  }
0x75: {  	[sflag:s11] =	ssyncset.done $0x0  }
0x76: {  	s17 =	sadd.s32 $0x0, s21;
	[sflag:s11] =	ssyncadd.s32 $0xFFFFC000  }
0x77: {  	[tilespmem:s30], [sflag:$0x7] =	stream.linear.gather [hbm4b:s17+s4], $0x100, $0x38;
	v63 =	vld [tilespmem:$0x0]  }
0x78: {  	_ =	swait.ge [sflag:s22], $0x100  }
0x79: {  	[sflag:s22] =	ssyncset.done $0x0  }
0x7a: {  	[sflag:s22] =	ssyncadd.s32 $0xFFFFFF00  }
0x7b: {  	[tilespmem:s31], [sflag:$0x3] =	stream.indirect.gather [hbm4b:s0+s24], $0x80, s30, s24, $0xb8;
	v63 =	vld [tilespmem:$0x0]  }
0x7c: {  	_ =	swait.ge [sflag:s2], $0x4000  }
0x7d: {  	[sflag:s2] =	ssyncset.done $0x0  }
0x7e: {  	[sflag:s2] =	ssyncadd.s32 $0xFFFFC000  }
0x7f: {  	[spmem:s3] =	stream.indirect.scatter.add.f32 [tilespmem:s26], [sflag:$0x5], $0x80, s1, s24, $0xb8;
	v63 =	vld [tilespmem:$0x0]  }
0x80: {  	_ =	swait.ge [sflag:s6], $0x4000  }
0x81: {  	[sflag:s6] =	ssyncset.done $0x0  }
0x82: {  	s16 =	sadd.s32 $0x0, s20;
	[sflag:s6] =	ssyncadd.s32 $0xFFFFC000  }
0x83: {  	[tilespmem:s23], [sflag:$0x7] =	stream.linear.gather [hbm4b:s16+s4], $0x100, $0x38;
	v63 =	vld [tilespmem:$0x0]  }
0x84: {  	_ =	swait.ge [sflag:s22], $0x100  }
0x85: {  	[sflag:s22] =	ssyncset.done $0x0  }
0x86: {  	[sflag:s22] =	ssyncadd.s32 $0xFFFFFF00  }
0x87: {  	[tilespmem:s4], [sflag:$0x1] =	stream.indirect.gather [hbm4b:s0+s24], $0x80, s23, s24, $0xb8;
	v63 =	vld [tilespmem:$0x0]  }
0x88: {  	_ =	swait.ge [sflag:s7], $0x4000  }
0x89: {  	[sflag:s7] =	ssyncset.done $0x0  }
0x8a: {  	[sflag:s7] =	ssyncadd.s32 $0xFFFFC000  }
0x8b: {  	[spmem:s3] =	stream.indirect.scatter.add.f32 [tilespmem:s31], [sflag:$0x6], $0x80, s8, s24, $0xb8;
	v63 =	vld [tilespmem:$0x0]  }
0x8c: {  	_ =	swait.ge [sflag:s9], $0x4000  }
0x8d: {  	[sflag:s9] =	ssyncset.done $0x0  }
0x8e: {  	s17 =	sadd.s32 $0x0, s19;
	[sflag:s9] =	ssyncadd.s32 $0xFFFFC000  }
0x8f: {  	[tilespmem:s25], [sflag:$0x7] =	stream.linear.gather [hbm4b:s17+s4], $0x100, $0x38;
	v63 =	vld [tilespmem:$0x0]  }
0x90: {  	_ =	swait.ge [sflag:s22], $0x100  }
0x91: {  	[sflag:s22] =	ssyncset.done $0x0  }
0x92: {  	s15 =	simm.s32 $0x60;
	[sflag:s22] =	ssyncadd.s32 $0xFFFFFF00  }
.LBB2_4:
0x93: {  	[tilespmem:s26], [sflag:$0x2] =	stream.indirect.gather [hbm4b:s0+s24], $0x80, s25, s24, $0xb8;
	v63 =	vld [tilespmem:$0x0]  }
0x94: {  	s16 =	smov.u32 s15  }
0x95: {  	p0 =	sne.s32 s15, $0x8A0;
	s15 =	sadd.s32 $0x60, s15;
	_ =	swait.ge [sflag:s28], $0x4000  }
0x96: {  	[sflag:s28] =	ssyncset.done $0x0  }
0x97: {  	[sflag:s28] =	ssyncadd.s32 $0xFFFFC000  }
0x98: {  	[spmem:s3] =	stream.indirect.scatter.add.f32 [tilespmem:s4], [sflag:$0x4], $0x80, s29, s24, $0xb8;
	v63 =	vld [tilespmem:$0x0]  }
0x99: {  	_ =	swait.ge [sflag:s11], $0x4000  }
0x9a: {  	[sflag:s11] =	ssyncset.done $0x0  }
0x9b: {  	s17 =	sadd.s32 s16, s21;
	[sflag:s11] =	ssyncadd.s32 $0xFFFFC000  }
0x9c: {  	[tilespmem:s30], [sflag:$0x7] =	stream.linear.gather [hbm4b:s17+s4], $0x100, $0x38;
	v63 =	vld [tilespmem:$0x0]  }
0x9d: {  	_ =	swait.ge [sflag:s22], $0x100  }
0x9e: {  	[sflag:s22] =	ssyncset.done $0x0  }
0x9f: {  	[sflag:s22] =	ssyncadd.s32 $0xFFFFFF00  }
0xa0: {  	[tilespmem:s31], [sflag:$0x3] =	stream.indirect.gather [hbm4b:s0+s24], $0x80, s30, s24, $0xb8;
	v63 =	vld [tilespmem:$0x0]  }
0xa1: {  	_ =	swait.ge [sflag:s2], $0x4000  }
0xa2: {  	[sflag:s2] =	ssyncset.done $0x0  }
0xa3: {  	[sflag:s2] =	ssyncadd.s32 $0xFFFFC000  }
0xa4: {  	[spmem:s3] =	stream.indirect.scatter.add.f32 [tilespmem:s26], [sflag:$0x5], $0x80, s1, s24, $0xb8;
	v63 =	vld [tilespmem:$0x0]  }
0xa5: {  	_ =	swait.ge [sflag:s6], $0x4000  }
0xa6: {  	[sflag:s6] =	ssyncset.done $0x0  }
0xa7: {  	s17 =	sadd.s32 s16, s20;
	[sflag:s6] =	ssyncadd.s32 $0xFFFFC000  }
0xa8: {  	[tilespmem:s23], [sflag:$0x7] =	stream.linear.gather [hbm4b:s17+s4], $0x100, $0x38;
	v63 =	vld [tilespmem:$0x0]  }
0xa9: {  	_ =	swait.ge [sflag:s22], $0x100  }
0xaa: {  	[sflag:s22] =	ssyncset.done $0x0  }
0xab: {  	[sflag:s22] =	ssyncadd.s32 $0xFFFFFF00  }
0xac: {  	[tilespmem:s4], [sflag:$0x1] =	stream.indirect.gather [hbm4b:s0+s24], $0x80, s23, s24, $0xb8;
	v63 =	vld [tilespmem:$0x0]  }
0xad: {  	_ =	swait.ge [sflag:s7], $0x4000  }
0xae: {  	[sflag:s7] =	ssyncset.done $0x0  }
0xaf: {  	[sflag:s7] =	ssyncadd.s32 $0xFFFFC000  }
0xb0: {  	[spmem:s3] =	stream.indirect.scatter.add.f32 [tilespmem:s31], [sflag:$0x6], $0x80, s8, s24, $0xb8;
	v63 =	vld [tilespmem:$0x0]  }
0xb1: {  	_ =	swait.ge [sflag:s9], $0x4000  }
0xb2: {  	[sflag:s9] =	ssyncset.done $0x0  }
.Ltmp1:
0xb3: {  	s16 =	sadd.s32 s16, s19;
	[sflag:s9] =	ssyncadd.s32 $0xFFFFC000;
	(pc) =	sbr.rel @p0 .LBB2_4-.Ltmp1, $4  }
0xb4: {  	[tilespmem:s25], [sflag:$0x7] =	stream.linear.gather [hbm4b:s16+s4], $0x100, $0x38;
	v63 =	vld [tilespmem:$0x0]  }
0xb5: {  	_ =	swait.ge [sflag:s22], $0x100  }
0xb6: {  	[sflag:s22] =	ssyncset.done $0x0  }
0xb7: {  	[sflag:s22] =	ssyncadd.s32 $0xFFFFFF00  }
0xb8: {  	[tilespmem:s26], [sflag:$0x2] =	stream.indirect.gather [hbm4b:s0+s24], $0x80, s25, s24, $0xb8;
	v63 =	vld [tilespmem:$0x0]  }
0xb9: {  	_ =	swait.ge [sflag:s28], $0x4000  }
0xba: {  	[sflag:s28] =	ssyncset.done $0x0  }
0xbb: {  	[sflag:s28] =	ssyncadd.s32 $0xFFFFC000  }
0xbc: {  	[spmem:s3] =	stream.indirect.scatter.add.f32 [tilespmem:s4], [sflag:$0x4], $0x80, s29, s24, $0xb8;
	v63 =	vld [tilespmem:$0x0]  }
0xbd: {  	_ =	swait.ge [sflag:s11], $0x4000  }
0xbe: {  	[sflag:s11] =	ssyncset.done $0x0  }
0xbf: {  	s15 =	rddreg [dreg:$0xa];
	[sflag:s11] =	ssyncadd.s32 $0xFFFFC000  }
0xc0: {  	[tilespmem:s30], [sflag:$0x7] =	stream.linear.gather [hbm4b:s15+s4], $0x100, $0x38;
	v63 =	vld [tilespmem:$0x0]  }
0xc1: {  	_ =	swait.ge [sflag:s22], $0x100  }
0xc2: {  	[sflag:s22] =	ssyncset.done $0x0  }
0xc3: {  	[sflag:s22] =	ssyncadd.s32 $0xFFFFFF00  }
0xc4: {  	[tilespmem:s31], [sflag:$0x3] =	stream.indirect.gather [hbm4b:s0+s24], $0x80, s30, s24, $0xb8;
	v63 =	vld [tilespmem:$0x0]  }
0xc5: {  	_ =	swait.ge [sflag:s2], $0x4000  }
0xc6: {  	[sflag:s2] =	ssyncset.done $0x0  }
0xc7: {  	[sflag:s2] =	ssyncadd.s32 $0xFFFFC000  }
0xc8: {  	[spmem:s3] =	stream.indirect.scatter.add.f32 [tilespmem:s26], [sflag:$0x5], $0x80, s1, s24, $0xb8;
	v63 =	vld [tilespmem:$0x0]  }
0xc9: {  	_ =	swait.ge [sflag:s7], $0x4000  }
0xca: {  	[sflag:s7] =	ssyncset.done $0x0  }
0xcb: {  	[sflag:s7] =	ssyncadd.s32 $0xFFFFC000  }
0xcc: {  	[spmem:s3] =	stream.indirect.scatter.add.f32 [tilespmem:s31], [sflag:$0x6], $0x80, s8, s24, $0xb8;
	v63 =	vld [tilespmem:$0x0]  }
0xcd: {  	s16 =	rddreg [dreg:$0xb]  }
0xce: {  	[tilespmem:s12], [sflag:$0x7] =	stream.linear.gather [hbm4b:s16+s4], $0x100, $0x38;
	v63 =	vld [tilespmem:$0x0]  }
0xcf: {  	_ =	swait.ge [sflag:s22], $0x100  }
0xd0: {  	[sflag:s22] =	ssyncset.done $0x0  }
0xd1: {  	[sflag:s22] =	ssyncadd.s32 $0xFFFFFF00  }
0xd2: {  	_ =	swait.ge [sflag:s6], $0x4000  }
0xd3: {  	[sflag:s6] =	ssyncset.done $0x0  }
0xd4: {  	[sflag:s6] =	ssyncadd.s32 $0xFFFFC000  }
0xd5: {  	[tilespmem:s4], [sflag:$0x1] =	stream.indirect.gather [hbm4b:s0+s13], $0x80, s12, s13, $0xb8;
	v63 =	vld [tilespmem:$0x0]  }
0xd6: {  	_ =	swait.ge [sflag:s28], $0x800  }
0xd7: {  	[sflag:s28] =	ssyncset.done $0x0  }
0xd8: {  	s17 =	simm.s32 $0xC380;
	[sflag:s28] =	ssyncadd.s32 $0xFFFFF800  }
0xd9: {  	[spmem:s3] =	stream.indirect.scatter.add.f32 [tilespmem:s4], [sflag:$0x4], $0x80, s17, s13, $0xb8;
	v63 =	vld [tilespmem:$0x0]  }
0xda: {  	_ =	swait.ge [sflag:s6], $0x800  }
0xdb: {  	[sflag:s6] =	ssyncset.done $0x0  }
0xdc: {  	[sflag:s6] =	ssyncadd.s32 $0xFFFFF800  }
0xdd: {  	_ =	swait.ge [sflag:s9], $0x4000  }
0xde: {  	[sflag:s9] =	ssyncset.done $0x0  }
0xdf: {  	[sflag:s9] =	ssyncadd.s32 $0xFFFFC000  }
0xe0: {  	_ =	swait.ge [sflag:s11], $0x4000  }
0xe1: {  	[sflag:s11] =	ssyncset.done $0x0  }
0xe2: {  	s16 =	stileid.u32;
	[sflag:s11] =	ssyncadd.s32 $0xFFFFC000  }
0xe3: {  	s15 =	sshll.u32 s16, $0x6;
	[bflag:$0x0] =	sbarrier.arrive $0xFFFF  }
0xe4: {  	s16 =	sshrl.u32 s5, $0x3;
	s15 =	sor.u32 $0x1C07, s15;
	s17 =	rddreg [dreg:$0xc]  }
0xe5: {  	[hbm:s17], [sflag:s15] =	dma.local [spmem:s16], $0x2780  }
0xe6: {  	_ =	swait.ge [sflag:s22], $0x2780  }
0xe7: {  	s14 =	sadd.s32 $0x1, s14;
	s17 =	rddreg [dreg:$0xd]  }
0xe8: {  	p0 =	sne.s32 s14, s17  }
.Ltmp2:
0xe9: {  	_ = 	snop;
	(pc) =	sbr.rel @p0 .LBB2_1-.Ltmp2, $3  }
0xea: {  	_ =	sdelay $0x1  }
0xeb: {  	[sflag:s22] =	ssyncset.done $0x0  }
0xec: {  	[sflag:s22] =	ssyncadd.s32 $0xFFFFD880  }
0xed: {  	_ =	sfence.sel $0x180000  }
0xee: {  	[bflag:$0x0] =	sbarrier.arrive $0xFFFF  }
0xef: {  	_ =	strace $0x90000047  }
0xf0: {  	s0 =	stileid.u32;
	[bflag:$0x2] =	sbarrier.arrive $0xFFFF  }
0xf1: {  	p0 =	sne.s32 s0, $0x0;
	s0 =	rddreg [dreg:$0x4]  }
0xf2: {  	s0 =	sadd.s32 @!p0 $0x100000, s0  }
0xf3: {  	[sflag:s0] =	ssyncadd.tile.s32 @!p0 $0x1;
	_ =	shalt  }
.Lfunc_end2:
_tile_overlayer_lowered:
.L_overlay_start_2:
0xf4: {  	(tag) =	ssettag $0x2  }
0xf5: {  	s0 =	rddreg [dreg:$0x0];
	s2 =	stileid.u32  }
0xf6: {  	s1 =	rddreg [dreg:$0x1];
	p0 =	sne.s32 s2, $0x0  }
0xf7: {  	s3 =	rddreg [dreg:$0x2];
	[bflag:$0x3] =	sbarrier.arrive $0xFFFF;
	s2 =	simm.s32 @!p0 $0x1C07  }
0xf8: {  	[timem:s3], [sflag:s2] =	dma.local @!p0 [hbm:s0], s1  }
0xf9: {  	s0 =	simm.s32 @!p0 $0x7  }
0xfa: {  	_ =	swait.ge @!p0 [sflag:s0], s1  }
0xfb: {  	s1 =	ssub.s32 @!p0 $0x0, s1;
	[sflag:s0] =	ssyncset.done @!p0 $0x0  }
0xfc: {  	[sflag:s0] =	ssyncadd.s32 @!p0 s1  }
0xfd: {  	[bflag:$0x3] =	sbarrier.arrive $0xFFFF  }
0xfe: {  	_ =	shalt  }

</sc_bundles>
